<compile_context>
chip_gen: v7x
topology: tpu7x:2x2x1
jax: 0.10.2.dev20260603
libtpu: 0.0.44.dev20260713+nightly
codegen_flags: <defaults>
</compile_context>

<pallas_src>
import functools
import math

import jax
import jax.numpy as jnp
from jax import lax
from jax.experimental import pallas as pl
from jax.experimental.pallas import tpu as pltpu
from jax.experimental.pallas import tpu_sc as plsc

D_MODEL = 128
_SCALE = math.sqrt(128.0)

_NUM_CORES = 2
_NUM_SUBCORES = 16
_NW = _NUM_CORES * _NUM_SUBCORES
_CHUNK = 128
_NB = 5
_LA = 3


def _emb_lookup(idx, table, *, b_per_w, n_chunks):
    mesh = plsc.VectorSubcoreMesh(core_axis_name="c", subcore_axis_name="s")
    total = b_per_w * _NW

    @functools.partial(
        pl.kernel,
        mesh=mesh,
        out_type=jax.ShapeDtypeStruct((total, D_MODEL), jnp.float32),
        scratch_types=[
            pltpu.VMEM((n_chunks, _CHUNK), jnp.int32),
            pltpu.VMEM((_NB, _CHUNK, D_MODEL), jnp.float32),
        ]
        + [pltpu.SemaphoreType.DMA] * (2 * _NB),
    )
    def body(idx_hbm, table_hbm, out_hbm, idx_v, rows_v, *sems):
        gsems = sems[:_NB]
        wsems = sems[_NB:]
        wid = lax.axis_index("s") * _NUM_CORES + lax.axis_index("c")
        base = wid * b_per_w

        pltpu.sync_copy(idx_hbm.at[wid], idx_v)

        def gather(j, b):
            return pltpu.make_async_copy(
                table_hbm.at[idx_v.at[j]], rows_v.at[b], gsems[b])

        def write(j, b):
            return pltpu.make_async_copy(
                rows_v.at[b], out_hbm.at[pl.ds(base + j * _CHUNK, _CHUNK)],
                wsems[b])

        for b in range(_LA):
            gather(b, b).start()

        def outer(io, carry):
            for b in range(_NB):
                j = io * _NB + b
                nb = (b + _LA) % _NB

                @pl.when(j + _LA < n_chunks)
                def _fire():
                    @pl.when(j + _LA >= _NB)
                    def _drain():
                        write(j + _LA - _NB, nb).wait()

                    gather(j + _LA, nb).start()

                gather(j, b).wait()

                rb = rows_v.at[b]

                def row_body(r, c2):
                    for d in range(D_MODEL // 16):
                        sl = pl.ds(d * 16, 16)
                        rb[r, sl] = rb[r, sl] * _SCALE
                    return c2

                lax.fori_loop(0, _CHUNK, row_body, 0)

                write(j, b).start()
            return carry

        lax.fori_loop(0, n_chunks // _NB, outer, 0)

        for b in range(_NB):
            write(n_chunks - _NB + b, b).wait()

    return body(idx, table)


def kernel(tokens, embedding):
    b, s = tokens.shape
    total = b * s
    b_per_w = total // _NW
    n_chunks = b_per_w // _CHUNK
    idx = tokens.reshape(_NW, n_chunks, _CHUNK).astype(jnp.int32)
    out = _emb_lookup(idx, embedding, b_per_w=b_per_w, n_chunks=n_chunks)
    return out.reshape(b, s, D_MODEL)

# --- scband reference (transcript-rebuilt; emitter-appended) ---
"""Pipeline reference for scband-input-embedding-16106127360426 (READ-ONLY COPY).

The authoritative reference and input builder live on the scoring server;
editing this copy changes nothing except your own understanding.
"""

import jax, jax.numpy as jnp
import numpy as np

VOCAB_SIZE = 100000
D_MODEL = 128

def setup_inputs(seed: int = 0) -> dict:
    key = jax.random.key(seed)
    k_tok, k_emb = jax.random.split(key)
    tokens = jax.random.randint(k_tok, (4096, 200), 0, VOCAB_SIZE, dtype=jnp.int64 if jax.config.read('jax_enable_x64') else jnp.int32)
    embedding = jax.random.normal(k_emb, (VOCAB_SIZE, D_MODEL), dtype=jnp.float32)
    return {"tokens": tokens, "embedding": embedding}

def reference(tokens, embedding):
    # InputEmbedding.forward: embedding(tokens) * sqrt(d_model)
    inp_emb = jnp.take(embedding, tokens, axis=0) * np.sqrt(D_MODEL).astype(np.float32)
    return inp_emb

if __name__ == "__main__":
    import jax
    _d = setup_inputs()
    print(jax.jit(kernel)(*tuple(_d.values())))

</pallas_src>

<mosaic_0001>
#map = affine_map<(d0, d1) -> (0, 0, 0)>
#map1 = affine_map<(d0, d1) -> (0, 0)>
module attributes {stable_mosaic.version = 14 : i64} {
  func.func @body(%arg0: i32, %arg1: i32, %arg2: memref<32x200x128xi32, #tpu.memory_space<hbm>>, %arg3: memref<100000x128xf32, #tpu.memory_space<hbm>>, %arg4: memref<819200x128xf32, #tpu.memory_space<hbm>>, %arg5: memref<200x128xi32, #tpu.memory_space<vmem>>, %arg6: memref<5x128x128xf32, #tpu.memory_space<vmem>>, %arg7: memref<!tpu.dma_semaphore, #tpu.memory_space<semaphore_mem>>, %arg8: memref<!tpu.dma_semaphore, #tpu.memory_space<semaphore_mem>>, %arg9: memref<!tpu.dma_semaphore, #tpu.memory_space<semaphore_mem>>, %arg10: memref<!tpu.dma_semaphore, #tpu.memory_space<semaphore_mem>>, %arg11: memref<!tpu.dma_semaphore, #tpu.memory_space<semaphore_mem>>, %arg12: memref<!tpu.dma_semaphore, #tpu.memory_space<semaphore_mem>>, %arg13: memref<!tpu.dma_semaphore, #tpu.memory_space<semaphore_mem>>, %arg14: memref<!tpu.dma_semaphore, #tpu.memory_space<semaphore_mem>>, %arg15: memref<!tpu.dma_semaphore, #tpu.memory_space<semaphore_mem>>, %arg16: memref<!tpu.dma_semaphore, #tpu.memory_space<semaphore_mem>>) attributes {dimension_semantics = [#tpu.dimension_semantics<core_parallel>, #tpu.dimension_semantics<subcore_parallel>], iteration_bounds = array<i64: 2, 16>, scalar_prefetch = 0 : i64, scratch_operands = 12 : i64, tpu.core_type = #tpu.core_type<sc_vector_subcore>, window_params = [{transform_indices = #map}, {transform_indices = #map1}, {transform_indices = #map1}]} {
    %mul3A = arith.constant 2 : i32
    %mul3A_0 = arith.muli %arg1, %mul3A : i32
    %add3A = arith.addi %mul3A_0, %arg0 : i32
    %mul3A_1 = arith.constant 25600 : i32
    %mul3A_2 = arith.muli %add3A, %mul3A_1 : i32
    "tpu.region"() ({
      %run_scoped3A = tpu.sem_alloc : memref<!tpu.dma_semaphore, #tpu.memory_space<semaphore_mem>>
      %dma_start3A_117 = arith.constant 0 : i32
      %dma_start3A_118 = arith.constant 0 : i32
      %dma_start3A_119 = tpu.memref_slice %arg2[%add3A, %dma_start3A_117, %dma_start3A_118] : memref<32x200x128xi32, #tpu.memory_space<hbm>> -> memref<1x200x128xi32, #tpu.memory_space<hbm>>
      %dma_start3A_120 = tpu.memref_squeeze %dma_start3A_119 : memref<1x200x128xi32, #tpu.memory_space<hbm>> -> memref<200x128xi32, #tpu.memory_space<hbm>>
      %dma_start3A_121 = arith.constant 0 : i32
      %dma_start3A_122 = arith.constant 0 : i32
      %dma_start3A_123 = tpu.memref_slice %arg2[%add3A, %dma_start3A_121, %dma_start3A_122] : memref<32x200x128xi32, #tpu.memory_space<hbm>> -> memref<1x200x128xi32, #tpu.memory_space<hbm>>
      %dma_start3A_124 = tpu.memref_squeeze %dma_start3A_123 : memref<1x200x128xi32, #tpu.memory_space<hbm>> -> memref<200x128xi32, #tpu.memory_space<hbm>>
      tpu.enqueue_dma source(%dma_start3A_124 : memref<200x128xi32, #tpu.memory_space<hbm>>) target(%arg5 : memref<200x128xi32, #tpu.memory_space<vmem>>) target_semaphore(%run_scoped3A : memref<!tpu.dma_semaphore, #tpu.memory_space<semaphore_mem>>)
      %dma_wait3A_125 = arith.constant 0 : i32
      %dma_wait3A_126 = arith.constant 0 : i32
      %dma_wait3A_127 = tpu.memref_slice %arg2[%add3A, %dma_wait3A_125, %dma_wait3A_126] : memref<32x200x128xi32, #tpu.memory_space<hbm>> -> memref<1x200x128xi32, #tpu.memory_space<hbm>>
      %dma_wait3A_128 = tpu.memref_squeeze %dma_wait3A_127 : memref<1x200x128xi32, #tpu.memory_space<hbm>> -> memref<200x128xi32, #tpu.memory_space<hbm>>
      %dma_wait3A_129 = arith.constant 0 : i32
      %dma_wait3A_130 = arith.constant 0 : i32
      %dma_wait3A_131 = tpu.memref_slice %arg2[%add3A, %dma_wait3A_129, %dma_wait3A_130] : memref<32x200x128xi32, #tpu.memory_space<hbm>> -> memref<1x200x128xi32, #tpu.memory_space<hbm>>
      %dma_wait3A_132 = tpu.memref_squeeze %dma_wait3A_131 : memref<1x200x128xi32, #tpu.memory_space<hbm>> -> memref<200x128xi32, #tpu.memory_space<hbm>>
      tpu.wait_dma2 semaphore(%run_scoped3A : memref<!tpu.dma_semaphore, #tpu.memory_space<semaphore_mem>>) src(%dma_wait3A_132 : memref<200x128xi32, #tpu.memory_space<hbm>>) dst(%arg5 : memref<200x128xi32, #tpu.memory_space<vmem>>)
      tpu.yield
    }) : () -> ()
    %dma_start3A = arith.constant 0 : i32
    %dma_start3A_3 = arith.constant 0 : i32
    %dma_start3A_4 = arith.constant 0 : i32
    %dma_start3A_5 = arith.constant 0 : i32
    %dma_start3A_6 = tpu.memref_slice %arg6[%dma_start3A_3, %dma_start3A_4, %dma_start3A_5] : memref<5x128x128xf32, #tpu.memory_space<vmem>> -> memref<1x128x128xf32, #tpu.memory_space<vmem>>
    %dma_start3A_7 = tpu.memref_squeeze %dma_start3A_6 : memref<1x128x128xf32, #tpu.memory_space<vmem>> -> memref<128x128xf32, #tpu.memory_space<vmem>>
    %dma_start3A_8 = arith.constant 0 : i32
    %dma_start3A_9 = tpu.memref_slice %arg5[%dma_start3A, %dma_start3A_8] : memref<200x128xi32, #tpu.memory_space<vmem>> -> memref<1x128xi32, #tpu.memory_space<vmem>>
    %dma_start3A_10 = tpu.memref_squeeze %dma_start3A_9 : memref<1x128xi32, #tpu.memory_space<vmem>> -> memref<128xi32, #tpu.memory_space<vmem>>
    %dma_start3A_11 = arith.constant 0 : i32
    %dma_start3A_12 = arith.constant 0 : i32
    %dma_start3A_13 = tpu.memref_slice %arg3[%dma_start3A_11, %dma_start3A_12] : memref<100000x128xf32, #tpu.memory_space<hbm>> -> memref<100000x128xf32, #tpu.memory_space<hbm>>
    tpu.enqueue_indirect_dma source(%dma_start3A_13 : memref<100000x128xf32, #tpu.memory_space<hbm>>) target(%dma_start3A_7 : memref<128x128xf32, #tpu.memory_space<vmem>>) offsets(%dma_start3A_10 : memref<128xi32, #tpu.memory_space<vmem>>) semaphore(%arg7 : memref<!tpu.dma_semaphore, #tpu.memory_space<semaphore_mem>>)
    %dma_start3A_14 = arith.constant 1 : i32
    %dma_start3A_15 = arith.constant 1 : i32
    %dma_start3A_16 = arith.constant 0 : i32
    %dma_start3A_17 = arith.constant 0 : i32
    %dma_start3A_18 = tpu.memref_slice %arg6[%dma_start3A_15, %dma_start3A_16, %dma_start3A_17] : memref<5x128x128xf32, #tpu.memory_space<vmem>> -> memref<1x128x128xf32, #tpu.memory_space<vmem>>
    %dma_start3A_19 = tpu.memref_squeeze %dma_start3A_18 : memref<1x128x128xf32, #tpu.memory_space<vmem>> -> memref<128x128xf32, #tpu.memory_space<vmem>>
    %dma_start3A_20 = arith.constant 0 : i32
    %dma_start3A_21 = tpu.memref_slice %arg5[%dma_start3A_14, %dma_start3A_20] : memref<200x128xi32, #tpu.memory_space<vmem>> -> memref<1x128xi32, #tpu.memory_space<vmem>>
    %dma_start3A_22 = tpu.memref_squeeze %dma_start3A_21 : memref<1x128xi32, #tpu.memory_space<vmem>> -> memref<128xi32, #tpu.memory_space<vmem>>
    %dma_start3A_23 = arith.constant 0 : i32
    %dma_start3A_24 = arith.constant 0 : i32
    %dma_start3A_25 = tpu.memref_slice %arg3[%dma_start3A_23, %dma_start3A_24] : memref<100000x128xf32, #tpu.memory_space<hbm>> -> memref<100000x128xf32, #tpu.memory_space<hbm>>
    tpu.enqueue_indirect_dma source(%dma_start3A_25 : memref<100000x128xf32, #tpu.memory_space<hbm>>) target(%dma_start3A_19 : memref<128x128xf32, #tpu.memory_space<vmem>>) offsets(%dma_start3A_22 : memref<128xi32, #tpu.memory_space<vmem>>) semaphore(%arg8 : memref<!tpu.dma_semaphore, #tpu.memory_space<semaphore_mem>>)
    %dma_start3A_26 = arith.constant 2 : i32
    %dma_start3A_27 = arith.constant 2 : i32
    %dma_start3A_28 = arith.constant 0 : i32
    %dma_start3A_29 = arith.constant 0 : i32
    %dma_start3A_30 = tpu.memref_slice %arg6[%dma_start3A_27, %dma_start3A_28, %dma_start3A_29] : memref<5x128x128xf32, #tpu.memory_space<vmem>> -> memref<1x128x128xf32, #tpu.memory_space<vmem>>
    %dma_start3A_31 = tpu.memref_squeeze %dma_start3A_30 : memref<1x128x128xf32, #tpu.memory_space<vmem>> -> memref<128x128xf32, #tpu.memory_space<vmem>>
    %dma_start3A_32 = arith.constant 0 : i32
    %dma_start3A_33 = tpu.memref_slice %arg5[%dma_start3A_26, %dma_start3A_32] : memref<200x128xi32, #tpu.memory_space<vmem>> -> memref<1x128xi32, #tpu.memory_space<vmem>>
    %dma_start3A_34 = tpu.memref_squeeze %dma_start3A_33 : memref<1x128xi32, #tpu.memory_space<vmem>> -> memref<128xi32, #tpu.memory_space<vmem>>
    %dma_start3A_35 = arith.constant 0 : i32
    %dma_start3A_36 = arith.constant 0 : i32
    %dma_start3A_37 = tpu.memref_slice %arg3[%dma_start3A_35, %dma_start3A_36] : memref<100000x128xf32, #tpu.memory_space<hbm>> -> memref<100000x128xf32, #tpu.memory_space<hbm>>
    tpu.enqueue_indirect_dma source(%dma_start3A_37 : memref<100000x128xf32, #tpu.memory_space<hbm>>) target(%dma_start3A_31 : memref<128x128xf32, #tpu.memory_space<vmem>>) offsets(%dma_start3A_34 : memref<128xi32, #tpu.memory_space<vmem>>) semaphore(%arg9 : memref<!tpu.dma_semaphore, #tpu.memory_space<semaphore_mem>>)
    %scan3A = arith.constant 0 : i32
    %scan3A_38 = arith.constant 0 : i32
    %scan3A_39 = arith.constant 40 : i32
    %scan3A_40 = arith.addi %scan3A_38, %scan3A_39 : i32
    %scan3A_41 = arith.constant 1 : i32
    scf.for %scan3A_117 = %scan3A_38 to %scan3A_40 step %scan3A_41  : i32 {
      %mul3A_118 = arith.constant 5 : i32
      %mul3A_119 = arith.muli %scan3A_117, %mul3A_118 : i32
      %add3A_120 = arith.constant 0 : i32
      %add3A_121 = arith.addi %mul3A_119, %add3A_120 : i32
      %add3A_122 = arith.constant 3 : i32
      %add3A_123 = arith.addi %add3A_121, %add3A_122 : i32
      %lt3A = arith.constant 200 : i32
      %lt3A_124 = arith.cmpi slt, %add3A_123, %lt3A : i32
      %convert_element_type3A = arith.extui %lt3A_124 : i1 to i32
      %cond3A = arith.constant 0 : i32
      %cond3A_125 = arith.cmpi ne, %convert_element_type3A, %cond3A : i32
      scf.if %cond3A_125 {
        %add3A_340 = arith.constant 3 : i32
        %add3A_341 = arith.addi %add3A_121, %add3A_340 : i32
        %ge3A = arith.constant 5 : i32
        %ge3A_342 = arith.cmpi sge, %add3A_341, %ge3A : i32
        %convert_element_type3A_343 = arith.extui %ge3A_342 : i1 to i32
        %cond3A_344 = arith.constant 0 : i32
        %cond3A_345 = arith.cmpi ne, %convert_element_type3A_343, %cond3A_344 : i32
        scf.if %cond3A_345 {
          %add3A_359 = arith.constant 3 : i32
          %add3A_360 = arith.addi %add3A_121, %add3A_359 : i32
          %sub3A = arith.constant 5 : i32
          %sub3A_361 = arith.subi %add3A_360, %sub3A : i32
          %mul3A_362 = arith.constant 128 : i32
          %mul3A_363 = arith.muli %sub3A_361, %mul3A_362 : i32
          %add3A_364 = arith.addi %mul3A_2, %mul3A_363 : i32
          %dma_wait3A_365 = arith.constant 3 : i32
          %dma_wait3A_366 = arith.constant 0 : i32
          %dma_wait3A_367 = arith.constant 0 : i32
          %dma_wait3A_368 = tpu.memref_slice %arg6[%dma_wait3A_365, %dma_wait3A_366, %dma_wait3A_367] : memref<5x128x128xf32, #tpu.memory_space<vmem>> -> memref<1x128x128xf32, #tpu.memory_space<vmem>>
          %dma_wait3A_369 = tpu.memref_squeeze %dma_wait3A_368 : memref<1x128x128xf32, #tpu.memory_space<vmem>> -> memref<128x128xf32, #tpu.memory_space<vmem>>
          %dma_wait3A_370 = arith.constant 0 : i32
          %dma_wait3A_371 = tpu.memref_slice %arg4[%add3A_364, %dma_wait3A_370] : memref<819200x128xf32, #tpu.memory_space<hbm>> -> memref<128x128xf32, #tpu.memory_space<hbm>>
          %dma_wait3A_372 = arith.constant 0 : i32
          %dma_wait3A_373 = tpu.memref_slice %arg4[%add3A_364, %dma_wait3A_372] : memref<819200x128xf32, #tpu.memory_space<hbm>> -> memref<128x128xf32, #tpu.memory_space<hbm>>
          %dma_wait3A_374 = arith.constant 0 : i32
          %dma_wait3A_375 = arith.constant 0 : i32
          %dma_wait3A_376 = tpu.memref_slice %arg6[%dma_wait3A_365, %dma_wait3A_374, %dma_wait3A_375] : memref<5x128x128xf32, #tpu.memory_space<vmem>> -> memref<1x128x128xf32, #tpu.memory_space<vmem>>
          %dma_wait3A_377 = tpu.memref_squeeze %dma_wait3A_376 : memref<1x128x128xf32, #tpu.memory_space<vmem>> -> memref<128x128xf32, #tpu.memory_space<vmem>>
          tpu.wait_dma2 semaphore(%arg15 : memref<!tpu.dma_semaphore, #tpu.memory_space<semaphore_mem>>) src(%dma_wait3A_377 : memref<128x128xf32, #tpu.memory_space<vmem>>) dst(%dma_wait3A_373 : memref<128x128xf32, #tpu.memory_space<hbm>>)
        } else {
        }
        %add3A_346 = arith.constant 3 : i32
        %add3A_347 = arith.addi %add3A_121, %add3A_346 : i32
        %dma_start3A_348 = arith.constant 3 : i32
        %dma_start3A_349 = arith.constant 0 : i32
        %dma_start3A_350 = arith.constant 0 : i32
        %dma_start3A_351 = tpu.memref_slice %arg6[%dma_start3A_348, %dma_start3A_349, %dma_start3A_350] : memref<5x128x128xf32, #tpu.memory_space<vmem>> -> memref<1x128x128xf32, #tpu.memory_space<vmem>>
        %dma_start3A_352 = tpu.memref_squeeze %dma_start3A_351 : memref<1x128x128xf32, #tpu.memory_space<vmem>> -> memref<128x128xf32, #tpu.memory_space<vmem>>
        %dma_start3A_353 = arith.constant 0 : i32
        %dma_start3A_354 = tpu.memref_slice %arg5[%add3A_347, %dma_start3A_353] : memref<200x128xi32, #tpu.memory_space<vmem>> -> memref<1x128xi32, #tpu.memory_space<vmem>>
        %dma_start3A_355 = tpu.memref_squeeze %dma_start3A_354 : memref<1x128xi32, #tpu.memory_space<vmem>> -> memref<128xi32, #tpu.memory_space<vmem>>
        %dma_start3A_356 = arith.constant 0 : i32
        %dma_start3A_357 = arith.constant 0 : i32
        %dma_start3A_358 = tpu.memref_slice %arg3[%dma_start3A_356, %dma_start3A_357] : memref<100000x128xf32, #tpu.memory_space<hbm>> -> memref<100000x128xf32, #tpu.memory_space<hbm>>
        tpu.enqueue_indirect_dma source(%dma_start3A_358 : memref<100000x128xf32, #tpu.memory_space<hbm>>) target(%dma_start3A_352 : memref<128x128xf32, #tpu.memory_space<vmem>>) offsets(%dma_start3A_355 : memref<128xi32, #tpu.memory_space<vmem>>) semaphore(%arg10 : memref<!tpu.dma_semaphore, #tpu.memory_space<semaphore_mem>>)
      } else {
      }
      %dma_wait3A_126 = arith.constant 0 : i32
      %dma_wait3A_127 = arith.constant 0 : i32
      %dma_wait3A_128 = arith.constant 0 : i32
      %dma_wait3A_129 = tpu.memref_slice %arg6[%dma_wait3A_126, %dma_wait3A_127, %dma_wait3A_128] : memref<5x128x128xf32, #tpu.memory_space<vmem>> -> memref<1x128x128xf32, #tpu.memory_space<vmem>>
      %dma_wait3A_130 = tpu.memref_squeeze %dma_wait3A_129 : memref<1x128x128xf32, #tpu.memory_space<vmem>> -> memref<128x128xf32, #tpu.memory_space<vmem>>
      %dma_wait3A_131 = arith.constant 0 : i32
      %dma_wait3A_132 = tpu.memref_slice %arg5[%add3A_121, %dma_wait3A_131] : memref<200x128xi32, #tpu.memory_space<vmem>> -> memref<1x128xi32, #tpu.memory_space<vmem>>
      %dma_wait3A_133 = tpu.memref_squeeze %dma_wait3A_132 : memref<1x128xi32, #tpu.memory_space<vmem>> -> memref<128xi32, #tpu.memory_space<vmem>>
      %dma_wait3A_134 = arith.constant 0 : i32
      %dma_wait3A_135 = arith.constant 0 : i32
      %dma_wait3A_136 = tpu.memref_slice %arg3[%dma_wait3A_134, %dma_wait3A_135] : memref<100000x128xf32, #tpu.memory_space<hbm>> -> memref<100000x128xf32, #tpu.memory_space<hbm>>
      tpu.wait_indirect_dma semaphore(%arg7 : memref<!tpu.dma_semaphore, #tpu.memory_space<semaphore_mem>>) src(%dma_wait3A_136 : memref<100000x128xf32, #tpu.memory_space<hbm>>) dst(%dma_wait3A_130 : memref<128x128xf32, #tpu.memory_space<vmem>>)
      %scan3A_137 = arith.constant 0 : i32
      %scan3A_138 = arith.constant 0 : i32
      %scan3A_139 = arith.constant 0 : i32
      %scan3A_140 = arith.constant 128 : i32
      %scan3A_141 = arith.addi %scan3A_139, %scan3A_140 : i32
      %scan3A_142 = arith.constant 1 : i32
      scf.for %scan3A_340 = %scan3A_139 to %scan3A_141 step %scan3A_142  : i32 {
        %get3A = arith.constant 0 : i32
        %get3A_341 = arith.constant 0 : i32
        %get3A_342 = tpu.memref_slice %arg6[%scan3A_138, %get3A, %get3A_341] : memref<5x128x128xf32, #tpu.memory_space<vmem>> -> memref<1x128x128xf32, #tpu.memory_space<vmem>>
        %get3A_343 = tpu.memref_squeeze %get3A_342 : memref<1x128x128xf32, #tpu.memory_space<vmem>> -> memref<128x128xf32, #tpu.memory_space<vmem>>
        %get3A_344 = arith.index_cast %scan3A_340 : i32 to index
        %get3A_345 = arith.constant 0 : index
        %get3A_346 = tpu.vector_load %get3A_343[%get3A_344, %get3A_345] {strides = array<i32>} : memref<128x128xf32, #tpu.memory_space<vmem>>, vector<1x16xf32>,
        %get3A_347 = vector.shape_cast %get3A_346 : vector<1x16xf32> to vector<16xf32>
        %mul3A_348 = arith.constant 11.3137083 : f32
        %mul3A_349 = vector.broadcast %mul3A_348 : f32 to vector<16xf32>
        %mul3A_350 = arith.mulf %get3A_347, %mul3A_349 : vector<16xf32>
        %swap3A = arith.constant 0 : i32
        %swap3A_351 = arith.constant 0 : i32
        %swap3A_352 = tpu.memref_slice %arg6[%scan3A_138, %swap3A, %swap3A_351] : memref<5x128x128xf32, #tpu.memory_space<vmem>> -> memref<1x128x128xf32, #tpu.memory_space<vmem>>
        %swap3A_353 = tpu.memref_squeeze %swap3A_352 : memref<1x128x128xf32, #tpu.memory_space<vmem>> -> memref<128x128xf32, #tpu.memory_space<vmem>>
        %swap3A_354 = arith.index_cast %scan3A_340 : i32 to index
        %swap3A_355 = arith.constant 0 : index
        %swap3A_356 = tpu.vector_load %swap3A_353[%swap3A_354, %swap3A_355] {strides = array<i32>} : memref<128x128xf32, #tpu.memory_space<vmem>>, vector<1x16xf32>,
        %swap3A_357 = vector.shape_cast %swap3A_356 : vector<1x16xf32> to vector<16xf32>
        %swap3A_358 = vector.shape_cast %mul3A_350 : vector<16xf32> to vector<1x16xf32>
        tpu.vector_store %swap3A_353[%swap3A_354, %swap3A_355], %swap3A_358 {strides = array<i32>} : memref<128x128xf32, #tpu.memory_space<vmem>>, vector<1x16xf32>,
        %get3A_359 = arith.constant 0 : i32
        %get3A_360 = arith.constant 0 : i32
        %get3A_361 = tpu.memref_slice %arg6[%scan3A_138, %get3A_359, %get3A_360] : memref<5x128x128xf32, #tpu.memory_space<vmem>> -> memref<1x128x128xf32, #tpu.memory_space<vmem>>
        %get3A_362 = tpu.memref_squeeze %get3A_361 : memref<1x128x128xf32, #tpu.memory_space<vmem>> -> memref<128x128xf32, #tpu.memory_space<vmem>>
        %get3A_363 = arith.index_cast %scan3A_340 : i32 to index
        %get3A_364 = arith.constant 16 : index
        %get3A_365 = tpu.vector_load %get3A_362[%get3A_363, %get3A_364] {strides = array<i32>} : memref<128x128xf32, #tpu.memory_space<vmem>>, vector<1x16xf32>,
        %get3A_366 = vector.shape_cast %get3A_365 : vector<1x16xf32> to vector<16xf32>
        %mul3A_367 = arith.constant 11.3137083 : f32
        %mul3A_368 = vector.broadcast %mul3A_367 : f32 to vector<16xf32>
        %mul3A_369 = arith.mulf %get3A_366, %mul3A_368 : vector<16xf32>
        %swap3A_370 = arith.constant 0 : i32
        %swap3A_371 = arith.constant 0 : i32
        %swap3A_372 = tpu.memref_slice %arg6[%scan3A_138, %swap3A_370, %swap3A_371] : memref<5x128x128xf32, #tpu.memory_space<vmem>> -> memref<1x128x128xf32, #tpu.memory_space<vmem>>
        %swap3A_373 = tpu.memref_squeeze %swap3A_372 : memref<1x128x128xf32, #tpu.memory_space<vmem>> -> memref<128x128xf32, #tpu.memory_space<vmem>>
        %swap3A_374 = arith.index_cast %scan3A_340 : i32 to index
        %swap3A_375 = arith.constant 16 : index
        %swap3A_376 = tpu.vector_load %swap3A_373[%swap3A_374, %swap3A_375] {strides = array<i32>} : memref<128x128xf32, #tpu.memory_space<vmem>>, vector<1x16xf32>,
        %swap3A_377 = vector.shape_cast %swap3A_376 : vector<1x16xf32> to vector<16xf32>
        %swap3A_378 = vector.shape_cast %mul3A_369 : vector<16xf32> to vector<1x16xf32>
        tpu.vector_store %swap3A_373[%swap3A_374, %swap3A_375], %swap3A_378 {strides = array<i32>} : memref<128x128xf32, #tpu.memory_space<vmem>>, vector<1x16xf32>,
        %get3A_379 = arith.constant 0 : i32
        %get3A_380 = arith.constant 0 : i32
        %get3A_381 = tpu.memref_slice %arg6[%scan3A_138, %get3A_379, %get3A_380] : memref<5x128x128xf32, #tpu.memory_space<vmem>> -> memref<1x128x128xf32, #tpu.memory_space<vmem>>
        %get3A_382 = tpu.memref_squeeze %get3A_381 : memref<1x128x128xf32, #tpu.memory_space<vmem>> -> memref<128x128xf32, #tpu.memory_space<vmem>>
        %get3A_383 = arith.index_cast %scan3A_340 : i32 to index
        %get3A_384 = arith.constant 32 : index
        %get3A_385 = tpu.vector_load %get3A_382[%get3A_383, %get3A_384] {strides = array<i32>} : memref<128x128xf32, #tpu.memory_space<vmem>>, vector<1x16xf32>,
        %get3A_386 = vector.shape_cast %get3A_385 : vector<1x16xf32> to vector<16xf32>
        %mul3A_387 = arith.constant 11.3137083 : f32
        %mul3A_388 = vector.broadcast %mul3A_387 : f32 to vector<16xf32>
        %mul3A_389 = arith.mulf %get3A_386, %mul3A_388 : vector<16xf32>
        %swap3A_390 = arith.constant 0 : i32
        %swap3A_391 = arith.constant 0 : i32
        %swap3A_392 = tpu.memref_slice %arg6[%scan3A_138, %swap3A_390, %swap3A_391] : memref<5x128x128xf32, #tpu.memory_space<vmem>> -> memref<1x128x128xf32, #tpu.memory_space<vmem>>
        %swap3A_393 = tpu.memref_squeeze %swap3A_392 : memref<1x128x128xf32, #tpu.memory_space<vmem>> -> memref<128x128xf32, #tpu.memory_space<vmem>>
        %swap3A_394 = arith.index_cast %scan3A_340 : i32 to index
        %swap3A_395 = arith.constant 32 : index
        %swap3A_396 = tpu.vector_load %swap3A_393[%swap3A_394, %swap3A_395] {strides = array<i32>} : memref<128x128xf32, #tpu.memory_space<vmem>>, vector<1x16xf32>,
        %swap3A_397 = vector.shape_cast %swap3A_396 : vector<1x16xf32> to vector<16xf32>
        %swap3A_398 = vector.shape_cast %mul3A_389 : vector<16xf32> to vector<1x16xf32>
        tpu.vector_store %swap3A_393[%swap3A_394, %swap3A_395], %swap3A_398 {strides = array<i32>} : memref<128x128xf32, #tpu.memory_space<vmem>>, vector<1x16xf32>,
        %get3A_399 = arith.constant 0 : i32
        %get3A_400 = arith.constant 0 : i32
        %get3A_401 = tpu.memref_slice %arg6[%scan3A_138, %get3A_399, %get3A_400] : memref<5x128x128xf32, #tpu.memory_space<vmem>> -> memref<1x128x128xf32, #tpu.memory_space<vmem>>
        %get3A_402 = tpu.memref_squeeze %get3A_401 : memref<1x128x128xf32, #tpu.memory_space<vmem>> -> memref<128x128xf32, #tpu.memory_space<vmem>>
        %get3A_403 = arith.index_cast %scan3A_340 : i32 to index
        %get3A_404 = arith.constant 48 : index
        %get3A_405 = tpu.vector_load %get3A_402[%get3A_403, %get3A_404] {strides = array<i32>} : memref<128x128xf32, #tpu.memory_space<vmem>>, vector<1x16xf32>,
        %get3A_406 = vector.shape_cast %get3A_405 : vector<1x16xf32> to vector<16xf32>
        %mul3A_407 = arith.constant 11.3137083 : f32
        %mul3A_408 = vector.broadcast %mul3A_407 : f32 to vector<16xf32>
        %mul3A_409 = arith.mulf %get3A_406, %mul3A_408 : vector<16xf32>
        %swap3A_410 = arith.constant 0 : i32
        %swap3A_411 = arith.constant 0 : i32
        %swap3A_412 = tpu.memref_slice %arg6[%scan3A_138, %swap3A_410, %swap3A_411] : memref<5x128x128xf32, #tpu.memory_space<vmem>> -> memref<1x128x128xf32, #tpu.memory_space<vmem>>
        %swap3A_413 = tpu.memref_squeeze %swap3A_412 : memref<1x128x128xf32, #tpu.memory_space<vmem>> -> memref<128x128xf32, #tpu.memory_space<vmem>>
        %swap3A_414 = arith.index_cast %scan3A_340 : i32 to index
        %swap3A_415 = arith.constant 48 : index
        %swap3A_416 = tpu.vector_load %swap3A_413[%swap3A_414, %swap3A_415] {strides = array<i32>} : memref<128x128xf32, #tpu.memory_space<vmem>>, vector<1x16xf32>,
        %swap3A_417 = vector.shape_cast %swap3A_416 : vector<1x16xf32> to vector<16xf32>
        %swap3A_418 = vector.shape_cast %mul3A_409 : vector<16xf32> to vector<1x16xf32>
        tpu.vector_store %swap3A_413[%swap3A_414, %swap3A_415], %swap3A_418 {strides = array<i32>} : memref<128x128xf32, #tpu.memory_space<vmem>>, vector<1x16xf32>,
        %get3A_419 = arith.constant 0 : i32
        %get3A_420 = arith.constant 0 : i32
        %get3A_421 = tpu.memref_slice %arg6[%scan3A_138, %get3A_419, %get3A_420] : memref<5x128x128xf32, #tpu.memory_space<vmem>> -> memref<1x128x128xf32, #tpu.memory_space<vmem>>
        %get3A_422 = tpu.memref_squeeze %get3A_421 : memref<1x128x128xf32, #tpu.memory_space<vmem>> -> memref<128x128xf32, #tpu.memory_space<vmem>>
        %get3A_423 = arith.index_cast %scan3A_340 : i32 to index
        %get3A_424 = arith.constant 64 : index
        %get3A_425 = tpu.vector_load %get3A_422[%get3A_423, %get3A_424] {strides = array<i32>} : memref<128x128xf32, #tpu.memory_space<vmem>>, vector<1x16xf32>,
        %get3A_426 = vector.shape_cast %get3A_425 : vector<1x16xf32> to vector<16xf32>
        %mul3A_427 = arith.constant 11.3137083 : f32
        %mul3A_428 = vector.broadcast %mul3A_427 : f32 to vector<16xf32>
        %mul3A_429 = arith.mulf %get3A_426, %mul3A_428 : vector<16xf32>
        %swap3A_430 = arith.constant 0 : i32
        %swap3A_431 = arith.constant 0 : i32
        %swap3A_432 = tpu.memref_slice %arg6[%scan3A_138, %swap3A_430, %swap3A_431] : memref<5x128x128xf32, #tpu.memory_space<vmem>> -> memref<1x128x128xf32, #tpu.memory_space<vmem>>
        %swap3A_433 = tpu.memref_squeeze %swap3A_432 : memref<1x128x128xf32, #tpu.memory_space<vmem>> -> memref<128x128xf32, #tpu.memory_space<vmem>>
        %swap3A_434 = arith.index_cast %scan3A_340 : i32 to index
        %swap3A_435 = arith.constant 64 : index
        %swap3A_436 = tpu.vector_load %swap3A_433[%swap3A_434, %swap3A_435] {strides = array<i32>} : memref<128x128xf32, #tpu.memory_space<vmem>>, vector<1x16xf32>,
        %swap3A_437 = vector.shape_cast %swap3A_436 : vector<1x16xf32> to vector<16xf32>
        %swap3A_438 = vector.shape_cast %mul3A_429 : vector<16xf32> to vector<1x16xf32>
        tpu.vector_store %swap3A_433[%swap3A_434, %swap3A_435], %swap3A_438 {strides = array<i32>} : memref<128x128xf32, #tpu.memory_space<vmem>>, vector<1x16xf32>,
        %get3A_439 = arith.constant 0 : i32
        %get3A_440 = arith.constant 0 : i32
        %get3A_441 = tpu.memref_slice %arg6[%scan3A_138, %get3A_439, %get3A_440] : memref<5x128x128xf32, #tpu.memory_space<vmem>> -> memref<1x128x128xf32, #tpu.memory_space<vmem>>
        %get3A_442 = tpu.memref_squeeze %get3A_441 : memref<1x128x128xf32, #tpu.memory_space<vmem>> -> memref<128x128xf32, #tpu.memory_space<vmem>>
        %get3A_443 = arith.index_cast %scan3A_340 : i32 to index
        %get3A_444 = arith.constant 80 : index
        %get3A_445 = tpu.vector_load %get3A_442[%get3A_443, %get3A_444] {strides = array<i32>} : memref<128x128xf32, #tpu.memory_space<vmem>>, vector<1x16xf32>,
        %get3A_446 = vector.shape_cast %get3A_445 : vector<1x16xf32> to vector<16xf32>
        %mul3A_447 = arith.constant 11.3137083 : f32
        %mul3A_448 = vector.broadcast %mul3A_447 : f32 to vector<16xf32>
        %mul3A_449 = arith.mulf %get3A_446, %mul3A_448 : vector<16xf32>
        %swap3A_450 = arith.constant 0 : i32
        %swap3A_451 = arith.constant 0 : i32
        %swap3A_452 = tpu.memref_slice %arg6[%scan3A_138, %swap3A_450, %swap3A_451] : memref<5x128x128xf32, #tpu.memory_space<vmem>> -> memref<1x128x128xf32, #tpu.memory_space<vmem>>
        %swap3A_453 = tpu.memref_squeeze %swap3A_452 : memref<1x128x128xf32, #tpu.memory_space<vmem>> -> memref<128x128xf32, #tpu.memory_space<vmem>>
        %swap3A_454 = arith.index_cast %scan3A_340 : i32 to index
        %swap3A_455 = arith.constant 80 : index
        %swap3A_456 = tpu.vector_load %swap3A_453[%swap3A_454, %swap3A_455] {strides = array<i32>} : memref<128x128xf32, #tpu.memory_space<vmem>>, vector<1x16xf32>,
        %swap3A_457 = vector.shape_cast %swap3A_456 : vector<1x16xf32> to vector<16xf32>
        %swap3A_458 = vector.shape_cast %mul3A_449 : vector<16xf32> to vector<1x16xf32>
        tpu.vector_store %swap3A_453[%swap3A_454, %swap3A_455], %swap3A_458 {strides = array<i32>} : memref<128x128xf32, #tpu.memory_space<vmem>>, vector<1x16xf32>,
        %get3A_459 = arith.constant 0 : i32
        %get3A_460 = arith.constant 0 : i32
        %get3A_461 = tpu.memref_slice %arg6[%scan3A_138, %get3A_459, %get3A_460] : memref<5x128x128xf32, #tpu.memory_space<vmem>> -> memref<1x128x128xf32, #tpu.memory_space<vmem>>
        %get3A_462 = tpu.memref_squeeze %get3A_461 : memref<1x128x128xf32, #tpu.memory_space<vmem>> -> memref<128x128xf32, #tpu.memory_space<vmem>>
        %get3A_463 = arith.index_cast %scan3A_340 : i32 to index
        %get3A_464 = arith.constant 96 : index
        %get3A_465 = tpu.vector_load %get3A_462[%get3A_463, %get3A_464] {strides = array<i32>} : memref<128x128xf32, #tpu.memory_space<vmem>>, vector<1x16xf32>,
        %get3A_466 = vector.shape_cast %get3A_465 : vector<1x16xf32> to vector<16xf32>
        %mul3A_467 = arith.constant 11.3137083 : f32
        %mul3A_468 = vector.broadcast %mul3A_467 : f32 to vector<16xf32>
        %mul3A_469 = arith.mulf %get3A_466, %mul3A_468 : vector<16xf32>
        %swap3A_470 = arith.constant 0 : i32
        %swap3A_471 = arith.constant 0 : i32
        %swap3A_472 = tpu.memref_slice %arg6[%scan3A_138, %swap3A_470, %swap3A_471] : memref<5x128x128xf32, #tpu.memory_space<vmem>> -> memref<1x128x128xf32, #tpu.memory_space<vmem>>
        %swap3A_473 = tpu.memref_squeeze %swap3A_472 : memref<1x128x128xf32, #tpu.memory_space<vmem>> -> memref<128x128xf32, #tpu.memory_space<vmem>>
        %swap3A_474 = arith.index_cast %scan3A_340 : i32 to index
        %swap3A_475 = arith.constant 96 : index
        %swap3A_476 = tpu.vector_load %swap3A_473[%swap3A_474, %swap3A_475] {strides = array<i32>} : memref<128x128xf32, #tpu.memory_space<vmem>>, vector<1x16xf32>,
        %swap3A_477 = vector.shape_cast %swap3A_476 : vector<1x16xf32> to vector<16xf32>
        %swap3A_478 = vector.shape_cast %mul3A_469 : vector<16xf32> to vector<1x16xf32>
        tpu.vector_store %swap3A_473[%swap3A_474, %swap3A_475], %swap3A_478 {strides = array<i32>} : memref<128x128xf32, #tpu.memory_space<vmem>>, vector<1x16xf32>,
        %get3A_479 = arith.constant 0 : i32
        %get3A_480 = arith.constant 0 : i32
        %get3A_481 = tpu.memref_slice %arg6[%scan3A_138, %get3A_479, %get3A_480] : memref<5x128x128xf32, #tpu.memory_space<vmem>> -> memref<1x128x128xf32, #tpu.memory_space<vmem>>
        %get3A_482 = tpu.memref_squeeze %get3A_481 : memref<1x128x128xf32, #tpu.memory_space<vmem>> -> memref<128x128xf32, #tpu.memory_space<vmem>>
        %get3A_483 = arith.index_cast %scan3A_340 : i32 to index
        %get3A_484 = arith.constant 112 : index
        %get3A_485 = tpu.vector_load %get3A_482[%get3A_483, %get3A_484] {strides = array<i32>} : memref<128x128xf32, #tpu.memory_space<vmem>>, vector<1x16xf32>,
        %get3A_486 = vector.shape_cast %get3A_485 : vector<1x16xf32> to vector<16xf32>
        %mul3A_487 = arith.constant 11.3137083 : f32
        %mul3A_488 = vector.broadcast %mul3A_487 : f32 to vector<16xf32>
        %mul3A_489 = arith.mulf %get3A_486, %mul3A_488 : vector<16xf32>
        %swap3A_490 = arith.constant 0 : i32
        %swap3A_491 = arith.constant 0 : i32
        %swap3A_492 = tpu.memref_slice %arg6[%scan3A_138, %swap3A_490, %swap3A_491] : memref<5x128x128xf32, #tpu.memory_space<vmem>> -> memref<1x128x128xf32, #tpu.memory_space<vmem>>
        %swap3A_493 = tpu.memref_squeeze %swap3A_492 : memref<1x128x128xf32, #tpu.memory_space<vmem>> -> memref<128x128xf32, #tpu.memory_space<vmem>>
        %swap3A_494 = arith.index_cast %scan3A_340 : i32 to index
        %swap3A_495 = arith.constant 112 : index
        %swap3A_496 = tpu.vector_load %swap3A_493[%swap3A_494, %swap3A_495] {strides = array<i32>} : memref<128x128xf32, #tpu.memory_space<vmem>>, vector<1x16xf32>,
        %swap3A_497 = vector.shape_cast %swap3A_496 : vector<1x16xf32> to vector<16xf32>
        %swap3A_498 = vector.shape_cast %mul3A_489 : vector<16xf32> to vector<1x16xf32>
        tpu.vector_store %swap3A_493[%swap3A_494, %swap3A_495], %swap3A_498 {strides = array<i32>} : memref<128x128xf32, #tpu.memory_space<vmem>>, vector<1x16xf32>,
      }
      %scan3A_143 = arith.constant 128 : i32
      %mul3A_144 = arith.constant 128 : i32
      %mul3A_145 = arith.muli %add3A_121, %mul3A_144 : i32
      %add3A_146 = arith.addi %mul3A_2, %mul3A_145 : i32
      %dma_start3A_147 = arith.constant 0 : i32
      %dma_start3A_148 = arith.constant 0 : i32
      %dma_start3A_149 = arith.constant 0 : i32
      %dma_start3A_150 = tpu.memref_slice %arg6[%dma_start3A_147, %dma_start3A_148, %dma_start3A_149] : memref<5x128x128xf32, #tpu.memory_space<vmem>> -> memref<1x128x128xf32, #tpu.memory_space<vmem>>
      %dma_start3A_151 = tpu.memref_squeeze %dma_start3A_150 : memref<1x128x128xf32, #tpu.memory_space<vmem>> -> memref<128x128xf32, #tpu.memory_space<vmem>>
      %dma_start3A_152 = arith.constant 0 : i32
      %dma_start3A_153 = tpu.memref_slice %arg4[%add3A_146, %dma_start3A_152] : memref<819200x128xf32, #tpu.memory_space<hbm>> -> memref<128x128xf32, #tpu.memory_space<hbm>>
      %dma_start3A_154 = arith.constant 0 : i32
      %dma_start3A_155 = tpu.memref_slice %arg4[%add3A_146, %dma_start3A_154] : memref<819200x128xf32, #tpu.memory_space<hbm>> -> memref<128x128xf32, #tpu.memory_space<hbm>>
      %dma_start3A_156 = arith.constant 0 : i32
      %dma_start3A_157 = arith.constant 0 : i32
      %dma_start3A_158 = tpu.memref_slice %arg6[%dma_start3A_147, %dma_start3A_156, %dma_start3A_157] : memref<5x128x128xf32, #tpu.memory_space<vmem>> -> memref<1x128x128xf32, #tpu.memory_space<vmem>>
      %dma_start3A_159 = tpu.memref_squeeze %dma_start3A_158 : memref<1x128x128xf32, #tpu.memory_space<vmem>> -> memref<128x128xf32, #tpu.memory_space<vmem>>
      tpu.enqueue_dma source(%dma_start3A_159 : memref<128x128xf32, #tpu.memory_space<vmem>>) target(%dma_start3A_155 : memref<128x128xf32, #tpu.memory_space<hbm>>) target_semaphore(%arg12 : memref<!tpu.dma_semaphore, #tpu.memory_space<semaphore_mem>>)
      %mul3A_160 = arith.constant 5 : i32
      %mul3A_161 = arith.muli %scan3A_117, %mul3A_160 : i32
      %add3A_162 = arith.constant 1 : i32
      %add3A_163 = arith.addi %mul3A_161, %add3A_162 : i32
      %add3A_164 = arith.constant 3 : i32
      %add3A_165 = arith.addi %add3A_163, %add3A_164 : i32
      %lt3A_166 = arith.constant 200 : i32
      %lt3A_167 = arith.cmpi slt, %add3A_165, %lt3A_166 : i32
      %convert_element_type3A_168 = arith.extui %lt3A_167 : i1 to i32
      %cond3A_169 = arith.constant 0 : i32
      %cond3A_170 = arith.cmpi ne, %convert_element_type3A_168, %cond3A_169 : i32
      scf.if %cond3A_170 {
        %add3A_340 = arith.constant 3 : i32
        %add3A_341 = arith.addi %add3A_163, %add3A_340 : i32
        %ge3A = arith.constant 5 : i32
        %ge3A_342 = arith.cmpi sge, %add3A_341, %ge3A : i32
        %convert_element_type3A_343 = arith.extui %ge3A_342 : i1 to i32
        %cond3A_344 = arith.constant 0 : i32
        %cond3A_345 = arith.cmpi ne, %convert_element_type3A_343, %cond3A_344 : i32
        scf.if %cond3A_345 {
          %add3A_359 = arith.constant 3 : i32
          %add3A_360 = arith.addi %add3A_163, %add3A_359 : i32
          %sub3A = arith.constant 5 : i32
          %sub3A_361 = arith.subi %add3A_360, %sub3A : i32
          %mul3A_362 = arith.constant 128 : i32
          %mul3A_363 = arith.muli %sub3A_361, %mul3A_362 : i32
          %add3A_364 = arith.addi %mul3A_2, %mul3A_363 : i32
          %dma_wait3A_365 = arith.constant 4 : i32
          %dma_wait3A_366 = arith.constant 0 : i32
          %dma_wait3A_367 = arith.constant 0 : i32
          %dma_wait3A_368 = tpu.memref_slice %arg6[%dma_wait3A_365, %dma_wait3A_366, %dma_wait3A_367] : memref<5x128x128xf32, #tpu.memory_space<vmem>> -> memref<1x128x128xf32, #tpu.memory_space<vmem>>
          %dma_wait3A_369 = tpu.memref_squeeze %dma_wait3A_368 : memref<1x128x128xf32, #tpu.memory_space<vmem>> -> memref<128x128xf32, #tpu.memory_space<vmem>>
          %dma_wait3A_370 = arith.constant 0 : i32
          %dma_wait3A_371 = tpu.memref_slice %arg4[%add3A_364, %dma_wait3A_370] : memref<819200x128xf32, #tpu.memory_space<hbm>> -> memref<128x128xf32, #tpu.memory_space<hbm>>
          %dma_wait3A_372 = arith.constant 0 : i32
          %dma_wait3A_373 = tpu.memref_slice %arg4[%add3A_364, %dma_wait3A_372] : memref<819200x128xf32, #tpu.memory_space<hbm>> -> memref<128x128xf32, #tpu.memory_space<hbm>>
          %dma_wait3A_374 = arith.constant 0 : i32
          %dma_wait3A_375 = arith.constant 0 : i32
          %dma_wait3A_376 = tpu.memref_slice %arg6[%dma_wait3A_365, %dma_wait3A_374, %dma_wait3A_375] : memref<5x128x128xf32, #tpu.memory_space<vmem>> -> memref<1x128x128xf32, #tpu.memory_space<vmem>>
          %dma_wait3A_377 = tpu.memref_squeeze %dma_wait3A_376 : memref<1x128x128xf32, #tpu.memory_space<vmem>> -> memref<128x128xf32, #tpu.memory_space<vmem>>
          tpu.wait_dma2 semaphore(%arg16 : memref<!tpu.dma_semaphore, #tpu.memory_space<semaphore_mem>>) src(%dma_wait3A_377 : memref<128x128xf32, #tpu.memory_space<vmem>>) dst(%dma_wait3A_373 : memref<128x128xf32, #tpu.memory_space<hbm>>)
        } else {
        }
        %add3A_346 = arith.constant 3 : i32
        %add3A_347 = arith.addi %add3A_163, %add3A_346 : i32
        %dma_start3A_348 = arith.constant 4 : i32
        %dma_start3A_349 = arith.constant 0 : i32
        %dma_start3A_350 = arith.constant 0 : i32
        %dma_start3A_351 = tpu.memref_slice %arg6[%dma_start3A_348, %dma_start3A_349, %dma_start3A_350] : memref<5x128x128xf32, #tpu.memory_space<vmem>> -> memref<1x128x128xf32, #tpu.memory_space<vmem>>
        %dma_start3A_352 = tpu.memref_squeeze %dma_start3A_351 : memref<1x128x128xf32, #tpu.memory_space<vmem>> -> memref<128x128xf32, #tpu.memory_space<vmem>>
        %dma_start3A_353 = arith.constant 0 : i32
        %dma_start3A_354 = tpu.memref_slice %arg5[%add3A_347, %dma_start3A_353] : memref<200x128xi32, #tpu.memory_space<vmem>> -> memref<1x128xi32, #tpu.memory_space<vmem>>
        %dma_start3A_355 = tpu.memref_squeeze %dma_start3A_354 : memref<1x128xi32, #tpu.memory_space<vmem>> -> memref<128xi32, #tpu.memory_space<vmem>>
        %dma_start3A_356 = arith.constant 0 : i32
        %dma_start3A_357 = arith.constant 0 : i32
        %dma_start3A_358 = tpu.memref_slice %arg3[%dma_start3A_356, %dma_start3A_357] : memref<100000x128xf32, #tpu.memory_space<hbm>> -> memref<100000x128xf32, #tpu.memory_space<hbm>>
        tpu.enqueue_indirect_dma source(%dma_start3A_358 : memref<100000x128xf32, #tpu.memory_space<hbm>>) target(%dma_start3A_352 : memref<128x128xf32, #tpu.memory_space<vmem>>) offsets(%dma_start3A_355 : memref<128xi32, #tpu.memory_space<vmem>>) semaphore(%arg11 : memref<!tpu.dma_semaphore, #tpu.memory_space<semaphore_mem>>)
      } else {
      }
      %dma_wait3A_171 = arith.constant 1 : i32
      %dma_wait3A_172 = arith.constant 0 : i32
      %dma_wait3A_173 = arith.constant 0 : i32
      %dma_wait3A_174 = tpu.memref_slice %arg6[%dma_wait3A_171, %dma_wait3A_172, %dma_wait3A_173] : memref<5x128x128xf32, #tpu.memory_space<vmem>> -> memref<1x128x128xf32, #tpu.memory_space<vmem>>
      %dma_wait3A_175 = tpu.memref_squeeze %dma_wait3A_174 : memref<1x128x128xf32, #tpu.memory_space<vmem>> -> memref<128x128xf32, #tpu.memory_space<vmem>>
      %dma_wait3A_176 = arith.constant 0 : i32
      %dma_wait3A_177 = tpu.memref_slice %arg5[%add3A_163, %dma_wait3A_176] : memref<200x128xi32, #tpu.memory_space<vmem>> -> memref<1x128xi32, #tpu.memory_space<vmem>>
      %dma_wait3A_178 = tpu.memref_squeeze %dma_wait3A_177 : memref<1x128xi32, #tpu.memory_space<vmem>> -> memref<128xi32, #tpu.memory_space<vmem>>
      %dma_wait3A_179 = arith.constant 0 : i32
      %dma_wait3A_180 = arith.constant 0 : i32
      %dma_wait3A_181 = tpu.memref_slice %arg3[%dma_wait3A_179, %dma_wait3A_180] : memref<100000x128xf32, #tpu.memory_space<hbm>> -> memref<100000x128xf32, #tpu.memory_space<hbm>>
      tpu.wait_indirect_dma semaphore(%arg8 : memref<!tpu.dma_semaphore, #tpu.memory_space<semaphore_mem>>) src(%dma_wait3A_181 : memref<100000x128xf32, #tpu.memory_space<hbm>>) dst(%dma_wait3A_175 : memref<128x128xf32, #tpu.memory_space<vmem>>)
      %scan3A_182 = arith.constant 0 : i32
      %scan3A_183 = arith.constant 1 : i32
      %scan3A_184 = arith.constant 0 : i32
      %scan3A_185 = arith.constant 128 : i32
      %scan3A_186 = arith.addi %scan3A_184, %scan3A_185 : i32
      %scan3A_187 = arith.constant 1 : i32
      scf.for %scan3A_340 = %scan3A_184 to %scan3A_186 step %scan3A_187  : i32 {
        %get3A = arith.constant 0 : i32
        %get3A_341 = arith.constant 0 : i32
        %get3A_342 = tpu.memref_slice %arg6[%scan3A_183, %get3A, %get3A_341] : memref<5x128x128xf32, #tpu.memory_space<vmem>> -> memref<1x128x128xf32, #tpu.memory_space<vmem>>
        %get3A_343 = tpu.memref_squeeze %get3A_342 : memref<1x128x128xf32, #tpu.memory_space<vmem>> -> memref<128x128xf32, #tpu.memory_space<vmem>>
        %get3A_344 = arith.index_cast %scan3A_340 : i32 to index
        %get3A_345 = arith.constant 0 : index
        %get3A_346 = tpu.vector_load %get3A_343[%get3A_344, %get3A_345] {strides = array<i32>} : memref<128x128xf32, #tpu.memory_space<vmem>>, vector<1x16xf32>,
        %get3A_347 = vector.shape_cast %get3A_346 : vector<1x16xf32> to vector<16xf32>
        %mul3A_348 = arith.constant 11.3137083 : f32
        %mul3A_349 = vector.broadcast %mul3A_348 : f32 to vector<16xf32>
        %mul3A_350 = arith.mulf %get3A_347, %mul3A_349 : vector<16xf32>
        %swap3A = arith.constant 0 : i32
        %swap3A_351 = arith.constant 0 : i32
        %swap3A_352 = tpu.memref_slice %arg6[%scan3A_183, %swap3A, %swap3A_351] : memref<5x128x128xf32, #tpu.memory_space<vmem>> -> memref<1x128x128xf32, #tpu.memory_space<vmem>>
        %swap3A_353 = tpu.memref_squeeze %swap3A_352 : memref<1x128x128xf32, #tpu.memory_space<vmem>> -> memref<128x128xf32, #tpu.memory_space<vmem>>
        %swap3A_354 = arith.index_cast %scan3A_340 : i32 to index
        %swap3A_355 = arith.constant 0 : index
        %swap3A_356 = tpu.vector_load %swap3A_353[%swap3A_354, %swap3A_355] {strides = array<i32>} : memref<128x128xf32, #tpu.memory_space<vmem>>, vector<1x16xf32>,
        %swap3A_357 = vector.shape_cast %swap3A_356 : vector<1x16xf32> to vector<16xf32>
        %swap3A_358 = vector.shape_cast %mul3A_350 : vector<16xf32> to vector<1x16xf32>
        tpu.vector_store %swap3A_353[%swap3A_354, %swap3A_355], %swap3A_358 {strides = array<i32>} : memref<128x128xf32, #tpu.memory_space<vmem>>, vector<1x16xf32>,
        %get3A_359 = arith.constant 0 : i32
        %get3A_360 = arith.constant 0 : i32
        %get3A_361 = tpu.memref_slice %arg6[%scan3A_183, %get3A_359, %get3A_360] : memref<5x128x128xf32, #tpu.memory_space<vmem>> -> memref<1x128x128xf32, #tpu.memory_space<vmem>>
        %get3A_362 = tpu.memref_squeeze %get3A_361 : memref<1x128x128xf32, #tpu.memory_space<vmem>> -> memref<128x128xf32, #tpu.memory_space<vmem>>
        %get3A_363 = arith.index_cast %scan3A_340 : i32 to index
        %get3A_364 = arith.constant 16 : index
        %get3A_365 = tpu.vector_load %get3A_362[%get3A_363, %get3A_364] {strides = array<i32>} : memref<128x128xf32, #tpu.memory_space<vmem>>, vector<1x16xf32>,
        %get3A_366 = vector.shape_cast %get3A_365 : vector<1x16xf32> to vector<16xf32>
        %mul3A_367 = arith.constant 11.3137083 : f32
        %mul3A_368 = vector.broadcast %mul3A_367 : f32 to vector<16xf32>
        %mul3A_369 = arith.mulf %get3A_366, %mul3A_368 : vector<16xf32>
        %swap3A_370 = arith.constant 0 : i32
        %swap3A_371 = arith.constant 0 : i32
        %swap3A_372 = tpu.memref_slice %arg6[%scan3A_183, %swap3A_370, %swap3A_371] : memref<5x128x128xf32, #tpu.memory_space<vmem>> -> memref<1x128x128xf32, #tpu.memory_space<vmem>>
        %swap3A_373 = tpu.memref_squeeze %swap3A_372 : memref<1x128x128xf32, #tpu.memory_space<vmem>> -> memref<128x128xf32, #tpu.memory_space<vmem>>
        %swap3A_374 = arith.index_cast %scan3A_340 : i32 to index
        %swap3A_375 = arith.constant 16 : index
        %swap3A_376 = tpu.vector_load %swap3A_373[%swap3A_374, %swap3A_375] {strides = array<i32>} : memref<128x128xf32, #tpu.memory_space<vmem>>, vector<1x16xf32>,
        %swap3A_377 = vector.shape_cast %swap3A_376 : vector<1x16xf32> to vector<16xf32>
        %swap3A_378 = vector.shape_cast %mul3A_369 : vector<16xf32> to vector<1x16xf32>
        tpu.vector_store %swap3A_373[%swap3A_374, %swap3A_375], %swap3A_378 {strides = array<i32>} : memref<128x128xf32, #tpu.memory_space<vmem>>, vector<1x16xf32>,
        %get3A_379 = arith.constant 0 : i32
        %get3A_380 = arith.constant 0 : i32
        %get3A_381 = tpu.memref_slice %arg6[%scan3A_183, %get3A_379, %get3A_380] : memref<5x128x128xf32, #tpu.memory_space<vmem>> -> memref<1x128x128xf32, #tpu.memory_space<vmem>>
        %get3A_382 = tpu.memref_squeeze %get3A_381 : memref<1x128x128xf32, #tpu.memory_space<vmem>> -> memref<128x128xf32, #tpu.memory_space<vmem>>
        %get3A_383 = arith.index_cast %scan3A_340 : i32 to index
        %get3A_384 = arith.constant 32 : index
        %get3A_385 = tpu.vector_load %get3A_382[%get3A_383, %get3A_384] {strides = array<i32>} : memref<128x128xf32, #tpu.memory_space<vmem>>, vector<1x16xf32>,
        %get3A_386 = vector.shape_cast %get3A_385 : vector<1x16xf32> to vector<16xf32>
        %mul3A_387 = arith.constant 11.3137083 : f32
        %mul3A_388 = vector.broadcast %mul3A_387 : f32 to vector<16xf32>
        %mul3A_389 = arith.mulf %get3A_386, %mul3A_388 : vector<16xf32>
        %swap3A_390 = arith.constant 0 : i32
        %swap3A_391 = arith.constant 0 : i32
        %swap3A_392 = tpu.memref_slice %arg6[%scan3A_183, %swap3A_390, %swap3A_391] : memref<5x128x128xf32, #tpu.memory_space<vmem>> -> memref<1x128x128xf32, #tpu.memory_space<vmem>>
        %swap3A_393 = tpu.memref_squeeze %swap3A_392 : memref<1x128x128xf32, #tpu.memory_space<vmem>> -> memref<128x128xf32, #tpu.memory_space<vmem>>
        %swap3A_394 = arith.index_cast %scan3A_340 : i32 to index
        %swap3A_395 = arith.constant 32 : index
        %swap3A_396 = tpu.vector_load %swap3A_393[%swap3A_394, %swap3A_395] {strides = array<i32>} : memref<128x128xf32, #tpu.memory_space<vmem>>, vector<1x16xf32>,
        %swap3A_397 = vector.shape_cast %swap3A_396 : vector<1x16xf32> to vector<16xf32>
        %swap3A_398 = vector.shape_cast %mul3A_389 : vector<16xf32> to vector<1x16xf32>
        tpu.vector_store %swap3A_393[%swap3A_394, %swap3A_395], %swap3A_398 {strides = array<i32>} : memref<128x128xf32, #tpu.memory_space<vmem>>, vector<1x16xf32>,
        %get3A_399 = arith.constant 0 : i32
        %get3A_400 = arith.constant 0 : i32
        %get3A_401 = tpu.memref_slice %arg6[%scan3A_183, %get3A_399, %get3A_400] : memref<5x128x128xf32, #tpu.memory_space<vmem>> -> memref<1x128x128xf32, #tpu.memory_space<vmem>>
        %get3A_402 = tpu.memref_squeeze %get3A_401 : memref<1x128x128xf32, #tpu.memory_space<vmem>> -> memref<128x128xf32, #tpu.memory_space<vmem>>
        %get3A_403 = arith.index_cast %scan3A_340 : i32 to index
        %get3A_404 = arith.constant 48 : index
        %get3A_405 = tpu.vector_load %get3A_402[%get3A_403, %get3A_404] {strides = array<i32>} : memref<128x128xf32, #tpu.memory_space<vmem>>, vector<1x16xf32>,
        %get3A_406 = vector.shape_cast %get3A_405 : vector<1x16xf32> to vector<16xf32>
        %mul3A_407 = arith.constant 11.3137083 : f32
        %mul3A_408 = vector.broadcast %mul3A_407 : f32 to vector<16xf32>
        %mul3A_409 = arith.mulf %get3A_406, %mul3A_408 : vector<16xf32>
        %swap3A_410 = arith.constant 0 : i32
        %swap3A_411 = arith.constant 0 : i32
        %swap3A_412 = tpu.memref_slice %arg6[%scan3A_183, %swap3A_410, %swap3A_411] : memref<5x128x128xf32, #tpu.memory_space<vmem>> -> memref<1x128x128xf32, #tpu.memory_space<vmem>>
        %swap3A_413 = tpu.memref_squeeze %swap3A_412 : memref<1x128x128xf32, #tpu.memory_space<vmem>> -> memref<128x128xf32, #tpu.memory_space<vmem>>
        %swap3A_414 = arith.index_cast %scan3A_340 : i32 to index
        %swap3A_415 = arith.constant 48 : index
        %swap3A_416 = tpu.vector_load %swap3A_413[%swap3A_414, %swap3A_415] {strides = array<i32>} : memref<128x128xf32, #tpu.memory_space<vmem>>, vector<1x16xf32>,
        %swap3A_417 = vector.shape_cast %swap3A_416 : vector<1x16xf32> to vector<16xf32>
        %swap3A_418 = vector.shape_cast %mul3A_409 : vector<16xf32> to vector<1x16xf32>
        tpu.vector_store %swap3A_413[%swap3A_414, %swap3A_415], %swap3A_418 {strides = array<i32>} : memref<128x128xf32, #tpu.memory_space<vmem>>, vector<1x16xf32>,
        %get3A_419 = arith.constant 0 : i32
        %get3A_420 = arith.constant 0 : i32
        %get3A_421 = tpu.memref_slice %arg6[%scan3A_183, %get3A_419, %get3A_420] : memref<5x128x128xf32, #tpu.memory_space<vmem>> -> memref<1x128x128xf32, #tpu.memory_space<vmem>>
        %get3A_422 = tpu.memref_squeeze %get3A_421 : memref<1x128x128xf32, #tpu.memory_space<vmem>> -> memref<128x128xf32, #tpu.memory_space<vmem>>
        %get3A_423 = arith.index_cast %scan3A_340 : i32 to index
        %get3A_424 = arith.constant 64 : index
        %get3A_425 = tpu.vector_load %get3A_422[%get3A_423, %get3A_424] {strides = array<i32>} : memref<128x128xf32, #tpu.memory_space<vmem>>, vector<1x16xf32>,
        %get3A_426 = vector.shape_cast %get3A_425 : vector<1x16xf32> to vector<16xf32>
        %mul3A_427 = arith.constant 11.3137083 : f32
        %mul3A_428 = vector.broadcast %mul3A_427 : f32 to vector<16xf32>
        %mul3A_429 = arith.mulf %get3A_426, %mul3A_428 : vector<16xf32>
        %swap3A_430 = arith.constant 0 : i32
        %swap3A_431 = arith.constant 0 : i32
        %swap3A_432 = tpu.memref_slice %arg6[%scan3A_183, %swap3A_430, %swap3A_431] : memref<5x128x128xf32, #tpu.memory_space<vmem>> -> memref<1x128x128xf32, #tpu.memory_space<vmem>>
        %swap3A_433 = tpu.memref_squeeze %swap3A_432 : memref<1x128x128xf32, #tpu.memory_space<vmem>> -> memref<128x128xf32, #tpu.memory_space<vmem>>
        %swap3A_434 = arith.index_cast %scan3A_340 : i32 to index
        %swap3A_435 = arith.constant 64 : index
        %swap3A_436 = tpu.vector_load %swap3A_433[%swap3A_434, %swap3A_435] {strides = array<i32>} : memref<128x128xf32, #tpu.memory_space<vmem>>, vector<1x16xf32>,
        %swap3A_437 = vector.shape_cast %swap3A_436 : vector<1x16xf32> to vector<16xf32>
        %swap3A_438 = vector.shape_cast %mul3A_429 : vector<16xf32> to vector<1x16xf32>
        tpu.vector_store %swap3A_433[%swap3A_434, %swap3A_435], %swap3A_438 {strides = array<i32>} : memref<128x128xf32, #tpu.memory_space<vmem>>, vector<1x16xf32>,
        %get3A_439 = arith.constant 0 : i32
        %get3A_440 = arith.constant 0 : i32
        %get3A_441 = tpu.memref_slice %arg6[%scan3A_183, %get3A_439, %get3A_440] : memref<5x128x128xf32, #tpu.memory_space<vmem>> -> memref<1x128x128xf32, #tpu.memory_space<vmem>>
        %get3A_442 = tpu.memref_squeeze %get3A_441 : memref<1x128x128xf32, #tpu.memory_space<vmem>> -> memref<128x128xf32, #tpu.memory_space<vmem>>
        %get3A_443 = arith.index_cast %scan3A_340 : i32 to index
        %get3A_444 = arith.constant 80 : index
        %get3A_445 = tpu.vector_load %get3A_442[%get3A_443, %get3A_444] {strides = array<i32>} : memref<128x128xf32, #tpu.memory_space<vmem>>, vector<1x16xf32>,
        %get3A_446 = vector.shape_cast %get3A_445 : vector<1x16xf32> to vector<16xf32>
        %mul3A_447 = arith.constant 11.3137083 : f32
        %mul3A_448 = vector.broadcast %mul3A_447 : f32 to vector<16xf32>
        %mul3A_449 = arith.mulf %get3A_446, %mul3A_448 : vector<16xf32>
        %swap3A_450 = arith.constant 0 : i32
        %swap3A_451 = arith.constant 0 : i32
        %swap3A_452 = tpu.memref_slice %arg6[%scan3A_183, %swap3A_450, %swap3A_451] : memref<5x128x128xf32, #tpu.memory_space<vmem>> -> memref<1x128x128xf32, #tpu.memory_space<vmem>>
        %swap3A_453 = tpu.memref_squeeze %swap3A_452 : memref<1x128x128xf32, #tpu.memory_space<vmem>> -> memref<128x128xf32, #tpu.memory_space<vmem>>
        %swap3A_454 = arith.index_cast %scan3A_340 : i32 to index
        %swap3A_455 = arith.constant 80 : index
        %swap3A_456 = tpu.vector_load %swap3A_453[%swap3A_454, %swap3A_455] {strides = array<i32>} : memref<128x128xf32, #tpu.memory_space<vmem>>, vector<1x16xf32>,
        %swap3A_457 = vector.shape_cast %swap3A_456 : vector<1x16xf32> to vector<16xf32>
        %swap3A_458 = vector.shape_cast %mul3A_449 : vector<16xf32> to vector<1x16xf32>
        tpu.vector_store %swap3A_453[%swap3A_454, %swap3A_455], %swap3A_458 {strides = array<i32>} : memref<128x128xf32, #tpu.memory_space<vmem>>, vector<1x16xf32>,
        %get3A_459 = arith.constant 0 : i32
        %get3A_460 = arith.constant 0 : i32
        %get3A_461 = tpu.memref_slice %arg6[%scan3A_183, %get3A_459, %get3A_460] : memref<5x128x128xf32, #tpu.memory_space<vmem>> -> memref<1x128x128xf32, #tpu.memory_space<vmem>>
        %get3A_462 = tpu.memref_squeeze %get3A_461 : memref<1x128x128xf32, #tpu.memory_space<vmem>> -> memref<128x128xf32, #tpu.memory_space<vmem>>
        %get3A_463 = arith.index_cast %scan3A_340 : i32 to index
        %get3A_464 = arith.constant 96 : index
        %get3A_465 = tpu.vector_load %get3A_462[%get3A_463, %get3A_464] {strides = array<i32>} : memref<128x128xf32, #tpu.memory_space<vmem>>, vector<1x16xf32>,
        %get3A_466 = vector.shape_cast %get3A_465 : vector<1x16xf32> to vector<16xf32>
        %mul3A_467 = arith.constant 11.3137083 : f32
        %mul3A_468 = vector.broadcast %mul3A_467 : f32 to vector<16xf32>
        %mul3A_469 = arith.mulf %get3A_466, %mul3A_468 : vector<16xf32>
        %swap3A_470 = arith.constant 0 : i32
        %swap3A_471 = arith.constant 0 : i32
        %swap3A_472 = tpu.memref_slice %arg6[%scan3A_183, %swap3A_470, %swap3A_471] : memref<5x128x128xf32, #tpu.memory_space<vmem>> -> memref<1x128x128xf32, #tpu.memory_space<vmem>>
        %swap3A_473 = tpu.memref_squeeze %swap3A_472 : memref<1x128x128xf32, #tpu.memory_space<vmem>> -> memref<128x128xf32, #tpu.memory_space<vmem>>
        %swap3A_474 = arith.index_cast %scan3A_340 : i32 to index
        %swap3A_475 = arith.constant 96 : index
        %swap3A_476 = tpu.vector_load %swap3A_473[%swap3A_474, %swap3A_475] {strides = array<i32>} : memref<128x128xf32, #tpu.memory_space<vmem>>, vector<1x16xf32>,
        %swap3A_477 = vector.shape_cast %swap3A_476 : vector<1x16xf32> to vector<16xf32>
        %swap3A_478 = vector.shape_cast %mul3A_469 : vector<16xf32> to vector<1x16xf32>
        tpu.vector_store %swap3A_473[%swap3A_474, %swap3A_475], %swap3A_478 {strides = array<i32>} : memref<128x128xf32, #tpu.memory_space<vmem>>, vector<1x16xf32>,
        %get3A_479 = arith.constant 0 : i32
        %get3A_480 = arith.constant 0 : i32
        %get3A_481 = tpu.memref_slice %arg6[%scan3A_183, %get3A_479, %get3A_480] : memref<5x128x128xf32, #tpu.memory_space<vmem>> -> memref<1x128x128xf32, #tpu.memory_space<vmem>>
        %get3A_482 = tpu.memref_squeeze %get3A_481 : memref<1x128x128xf32, #tpu.memory_space<vmem>> -> memref<128x128xf32, #tpu.memory_space<vmem>>
        %get3A_483 = arith.index_cast %scan3A_340 : i32 to index
        %get3A_484 = arith.constant 112 : index
        %get3A_485 = tpu.vector_load %get3A_482[%get3A_483, %get3A_484] {strides = array<i32>} : memref<128x128xf32, #tpu.memory_space<vmem>>, vector<1x16xf32>,
        %get3A_486 = vector.shape_cast %get3A_485 : vector<1x16xf32> to vector<16xf32>
        %mul3A_487 = arith.constant 11.3137083 : f32
        %mul3A_488 = vector.broadcast %mul3A_487 : f32 to vector<16xf32>
        %mul3A_489 = arith.mulf %get3A_486, %mul3A_488 : vector<16xf32>
        %swap3A_490 = arith.constant 0 : i32
        %swap3A_491 = arith.constant 0 : i32
        %swap3A_492 = tpu.memref_slice %arg6[%scan3A_183, %swap3A_490, %swap3A_491] : memref<5x128x128xf32, #tpu.memory_space<vmem>> -> memref<1x128x128xf32, #tpu.memory_space<vmem>>
        %swap3A_493 = tpu.memref_squeeze %swap3A_492 : memref<1x128x128xf32, #tpu.memory_space<vmem>> -> memref<128x128xf32, #tpu.memory_space<vmem>>
        %swap3A_494 = arith.index_cast %scan3A_340 : i32 to index
        %swap3A_495 = arith.constant 112 : index
        %swap3A_496 = tpu.vector_load %swap3A_493[%swap3A_494, %swap3A_495] {strides = array<i32>} : memref<128x128xf32, #tpu.memory_space<vmem>>, vector<1x16xf32>,
        %swap3A_497 = vector.shape_cast %swap3A_496 : vector<1x16xf32> to vector<16xf32>
        %swap3A_498 = vector.shape_cast %mul3A_489 : vector<16xf32> to vector<1x16xf32>
        tpu.vector_store %swap3A_493[%swap3A_494, %swap3A_495], %swap3A_498 {strides = array<i32>} : memref<128x128xf32, #tpu.memory_space<vmem>>, vector<1x16xf32>,
      }
      %scan3A_188 = arith.constant 128 : i32
      %mul3A_189 = arith.constant 128 : i32
      %mul3A_190 = arith.muli %add3A_163, %mul3A_189 : i32
      %add3A_191 = arith.addi %mul3A_2, %mul3A_190 : i32
      %dma_start3A_192 = arith.constant 1 : i32
      %dma_start3A_193 = arith.constant 0 : i32
      %dma_start3A_194 = arith.constant 0 : i32
      %dma_start3A_195 = tpu.memref_slice %arg6[%dma_start3A_192, %dma_start3A_193, %dma_start3A_194] : memref<5x128x128xf32, #tpu.memory_space<vmem>> -> memref<1x128x128xf32, #tpu.memory_space<vmem>>
      %dma_start3A_196 = tpu.memref_squeeze %dma_start3A_195 : memref<1x128x128xf32, #tpu.memory_space<vmem>> -> memref<128x128xf32, #tpu.memory_space<vmem>>
      %dma_start3A_197 = arith.constant 0 : i32
      %dma_start3A_198 = tpu.memref_slice %arg4[%add3A_191, %dma_start3A_197] : memref<819200x128xf32, #tpu.memory_space<hbm>> -> memref<128x128xf32, #tpu.memory_space<hbm>>
      %dma_start3A_199 = arith.constant 0 : i32
      %dma_start3A_200 = tpu.memref_slice %arg4[%add3A_191, %dma_start3A_199] : memref<819200x128xf32, #tpu.memory_space<hbm>> -> memref<128x128xf32, #tpu.memory_space<hbm>>
      %dma_start3A_201 = arith.constant 0 : i32
      %dma_start3A_202 = arith.constant 0 : i32
      %dma_start3A_203 = tpu.memref_slice %arg6[%dma_start3A_192, %dma_start3A_201, %dma_start3A_202] : memref<5x128x128xf32, #tpu.memory_space<vmem>> -> memref<1x128x128xf32, #tpu.memory_space<vmem>>
      %dma_start3A_204 = tpu.memref_squeeze %dma_start3A_203 : memref<1x128x128xf32, #tpu.memory_space<vmem>> -> memref<128x128xf32, #tpu.memory_space<vmem>>
      tpu.enqueue_dma source(%dma_start3A_204 : memref<128x128xf32, #tpu.memory_space<vmem>>) target(%dma_start3A_200 : memref<128x128xf32, #tpu.memory_space<hbm>>) target_semaphore(%arg13 : memref<!tpu.dma_semaphore, #tpu.memory_space<semaphore_mem>>)
      %mul3A_205 = arith.constant 5 : i32
      %mul3A_206 = arith.muli %scan3A_117, %mul3A_205 : i32
      %add3A_207 = arith.constant 2 : i32
      %add3A_208 = arith.addi %mul3A_206, %add3A_207 : i32
      %add3A_209 = arith.constant 3 : i32
      %add3A_210 = arith.addi %add3A_208, %add3A_209 : i32
      %lt3A_211 = arith.constant 200 : i32
      %lt3A_212 = arith.cmpi slt, %add3A_210, %lt3A_211 : i32
      %convert_element_type3A_213 = arith.extui %lt3A_212 : i1 to i32
      %cond3A_214 = arith.constant 0 : i32
      %cond3A_215 = arith.cmpi ne, %convert_element_type3A_213, %cond3A_214 : i32
      scf.if %cond3A_215 {
        %add3A_340 = arith.constant 3 : i32
        %add3A_341 = arith.addi %add3A_208, %add3A_340 : i32
        %ge3A = arith.constant 5 : i32
        %ge3A_342 = arith.cmpi sge, %add3A_341, %ge3A : i32
        %convert_element_type3A_343 = arith.extui %ge3A_342 : i1 to i32
        %cond3A_344 = arith.constant 0 : i32
        %cond3A_345 = arith.cmpi ne, %convert_element_type3A_343, %cond3A_344 : i32
        scf.if %cond3A_345 {
          %add3A_359 = arith.constant 3 : i32
          %add3A_360 = arith.addi %add3A_208, %add3A_359 : i32
          %sub3A = arith.constant 5 : i32
          %sub3A_361 = arith.subi %add3A_360, %sub3A : i32
          %mul3A_362 = arith.constant 128 : i32
          %mul3A_363 = arith.muli %sub3A_361, %mul3A_362 : i32
          %add3A_364 = arith.addi %mul3A_2, %mul3A_363 : i32
          %dma_wait3A_365 = arith.constant 0 : i32
          %dma_wait3A_366 = arith.constant 0 : i32
          %dma_wait3A_367 = arith.constant 0 : i32
          %dma_wait3A_368 = tpu.memref_slice %arg6[%dma_wait3A_365, %dma_wait3A_366, %dma_wait3A_367] : memref<5x128x128xf32, #tpu.memory_space<vmem>> -> memref<1x128x128xf32, #tpu.memory_space<vmem>>
          %dma_wait3A_369 = tpu.memref_squeeze %dma_wait3A_368 : memref<1x128x128xf32, #tpu.memory_space<vmem>> -> memref<128x128xf32, #tpu.memory_space<vmem>>
          %dma_wait3A_370 = arith.constant 0 : i32
          %dma_wait3A_371 = tpu.memref_slice %arg4[%add3A_364, %dma_wait3A_370] : memref<819200x128xf32, #tpu.memory_space<hbm>> -> memref<128x128xf32, #tpu.memory_space<hbm>>
          %dma_wait3A_372 = arith.constant 0 : i32
          %dma_wait3A_373 = tpu.memref_slice %arg4[%add3A_364, %dma_wait3A_372] : memref<819200x128xf32, #tpu.memory_space<hbm>> -> memref<128x128xf32, #tpu.memory_space<hbm>>
          %dma_wait3A_374 = arith.constant 0 : i32
          %dma_wait3A_375 = arith.constant 0 : i32
          %dma_wait3A_376 = tpu.memref_slice %arg6[%dma_wait3A_365, %dma_wait3A_374, %dma_wait3A_375] : memref<5x128x128xf32, #tpu.memory_space<vmem>> -> memref<1x128x128xf32, #tpu.memory_space<vmem>>
          %dma_wait3A_377 = tpu.memref_squeeze %dma_wait3A_376 : memref<1x128x128xf32, #tpu.memory_space<vmem>> -> memref<128x128xf32, #tpu.memory_space<vmem>>
          tpu.wait_dma2 semaphore(%arg12 : memref<!tpu.dma_semaphore, #tpu.memory_space<semaphore_mem>>) src(%dma_wait3A_377 : memref<128x128xf32, #tpu.memory_space<vmem>>) dst(%dma_wait3A_373 : memref<128x128xf32, #tpu.memory_space<hbm>>)
        } else {
        }
        %add3A_346 = arith.constant 3 : i32
        %add3A_347 = arith.addi %add3A_208, %add3A_346 : i32
        %dma_start3A_348 = arith.constant 0 : i32
        %dma_start3A_349 = arith.constant 0 : i32
        %dma_start3A_350 = arith.constant 0 : i32
        %dma_start3A_351 = tpu.memref_slice %arg6[%dma_start3A_348, %dma_start3A_349, %dma_start3A_350] : memref<5x128x128xf32, #tpu.memory_space<vmem>> -> memref<1x128x128xf32, #tpu.memory_space<vmem>>
        %dma_start3A_352 = tpu.memref_squeeze %dma_start3A_351 : memref<1x128x128xf32, #tpu.memory_space<vmem>> -> memref<128x128xf32, #tpu.memory_space<vmem>>
        %dma_start3A_353 = arith.constant 0 : i32
        %dma_start3A_354 = tpu.memref_slice %arg5[%add3A_347, %dma_start3A_353] : memref<200x128xi32, #tpu.memory_space<vmem>> -> memref<1x128xi32, #tpu.memory_space<vmem>>
        %dma_start3A_355 = tpu.memref_squeeze %dma_start3A_354 : memref<1x128xi32, #tpu.memory_space<vmem>> -> memref<128xi32, #tpu.memory_space<vmem>>
        %dma_start3A_356 = arith.constant 0 : i32
        %dma_start3A_357 = arith.constant 0 : i32
        %dma_start3A_358 = tpu.memref_slice %arg3[%dma_start3A_356, %dma_start3A_357] : memref<100000x128xf32, #tpu.memory_space<hbm>> -> memref<100000x128xf32, #tpu.memory_space<hbm>>
        tpu.enqueue_indirect_dma source(%dma_start3A_358 : memref<100000x128xf32, #tpu.memory_space<hbm>>) target(%dma_start3A_352 : memref<128x128xf32, #tpu.memory_space<vmem>>) offsets(%dma_start3A_355 : memref<128xi32, #tpu.memory_space<vmem>>) semaphore(%arg7 : memref<!tpu.dma_semaphore, #tpu.memory_space<semaphore_mem>>)
      } else {
      }
      %dma_wait3A_216 = arith.constant 2 : i32
      %dma_wait3A_217 = arith.constant 0 : i32
      %dma_wait3A_218 = arith.constant 0 : i32
      %dma_wait3A_219 = tpu.memref_slice %arg6[%dma_wait3A_216, %dma_wait3A_217, %dma_wait3A_218] : memref<5x128x128xf32, #tpu.memory_space<vmem>> -> memref<1x128x128xf32, #tpu.memory_space<vmem>>
      %dma_wait3A_220 = tpu.memref_squeeze %dma_wait3A_219 : memref<1x128x128xf32, #tpu.memory_space<vmem>> -> memref<128x128xf32, #tpu.memory_space<vmem>>
      %dma_wait3A_221 = arith.constant 0 : i32
      %dma_wait3A_222 = tpu.memref_slice %arg5[%add3A_208, %dma_wait3A_221] : memref<200x128xi32, #tpu.memory_space<vmem>> -> memref<1x128xi32, #tpu.memory_space<vmem>>
      %dma_wait3A_223 = tpu.memref_squeeze %dma_wait3A_222 : memref<1x128xi32, #tpu.memory_space<vmem>> -> memref<128xi32, #tpu.memory_space<vmem>>
      %dma_wait3A_224 = arith.constant 0 : i32
      %dma_wait3A_225 = arith.constant 0 : i32
      %dma_wait3A_226 = tpu.memref_slice %arg3[%dma_wait3A_224, %dma_wait3A_225] : memref<100000x128xf32, #tpu.memory_space<hbm>> -> memref<100000x128xf32, #tpu.memory_space<hbm>>
      tpu.wait_indirect_dma semaphore(%arg9 : memref<!tpu.dma_semaphore, #tpu.memory_space<semaphore_mem>>) src(%dma_wait3A_226 : memref<100000x128xf32, #tpu.memory_space<hbm>>) dst(%dma_wait3A_220 : memref<128x128xf32, #tpu.memory_space<vmem>>)
      %scan3A_227 = arith.constant 0 : i32
      %scan3A_228 = arith.constant 2 : i32
      %scan3A_229 = arith.constant 0 : i32
      %scan3A_230 = arith.constant 128 : i32
      %scan3A_231 = arith.addi %scan3A_229, %scan3A_230 : i32
      %scan3A_232 = arith.constant 1 : i32
      scf.for %scan3A_340 = %scan3A_229 to %scan3A_231 step %scan3A_232  : i32 {
        %get3A = arith.constant 0 : i32
        %get3A_341 = arith.constant 0 : i32
        %get3A_342 = tpu.memref_slice %arg6[%scan3A_228, %get3A, %get3A_341] : memref<5x128x128xf32, #tpu.memory_space<vmem>> -> memref<1x128x128xf32, #tpu.memory_space<vmem>>
        %get3A_343 = tpu.memref_squeeze %get3A_342 : memref<1x128x128xf32, #tpu.memory_space<vmem>> -> memref<128x128xf32, #tpu.memory_space<vmem>>
        %get3A_344 = arith.index_cast %scan3A_340 : i32 to index
        %get3A_345 = arith.constant 0 : index
        %get3A_346 = tpu.vector_load %get3A_343[%get3A_344, %get3A_345] {strides = array<i32>} : memref<128x128xf32, #tpu.memory_space<vmem>>, vector<1x16xf32>,
        %get3A_347 = vector.shape_cast %get3A_346 : vector<1x16xf32> to vector<16xf32>
        %mul3A_348 = arith.constant 11.3137083 : f32
        %mul3A_349 = vector.broadcast %mul3A_348 : f32 to vector<16xf32>
        %mul3A_350 = arith.mulf %get3A_347, %mul3A_349 : vector<16xf32>
        %swap3A = arith.constant 0 : i32
        %swap3A_351 = arith.constant 0 : i32
        %swap3A_352 = tpu.memref_slice %arg6[%scan3A_228, %swap3A, %swap3A_351] : memref<5x128x128xf32, #tpu.memory_space<vmem>> -> memref<1x128x128xf32, #tpu.memory_space<vmem>>
        %swap3A_353 = tpu.memref_squeeze %swap3A_352 : memref<1x128x128xf32, #tpu.memory_space<vmem>> -> memref<128x128xf32, #tpu.memory_space<vmem>>
        %swap3A_354 = arith.index_cast %scan3A_340 : i32 to index
        %swap3A_355 = arith.constant 0 : index
        %swap3A_356 = tpu.vector_load %swap3A_353[%swap3A_354, %swap3A_355] {strides = array<i32>} : memref<128x128xf32, #tpu.memory_space<vmem>>, vector<1x16xf32>,
        %swap3A_357 = vector.shape_cast %swap3A_356 : vector<1x16xf32> to vector<16xf32>
        %swap3A_358 = vector.shape_cast %mul3A_350 : vector<16xf32> to vector<1x16xf32>
        tpu.vector_store %swap3A_353[%swap3A_354, %swap3A_355], %swap3A_358 {strides = array<i32>} : memref<128x128xf32, #tpu.memory_space<vmem>>, vector<1x16xf32>,
        %get3A_359 = arith.constant 0 : i32
        %get3A_360 = arith.constant 0 : i32
        %get3A_361 = tpu.memref_slice %arg6[%scan3A_228, %get3A_359, %get3A_360] : memref<5x128x128xf32, #tpu.memory_space<vmem>> -> memref<1x128x128xf32, #tpu.memory_space<vmem>>
        %get3A_362 = tpu.memref_squeeze %get3A_361 : memref<1x128x128xf32, #tpu.memory_space<vmem>> -> memref<128x128xf32, #tpu.memory_space<vmem>>
        %get3A_363 = arith.index_cast %scan3A_340 : i32 to index
        %get3A_364 = arith.constant 16 : index
        %get3A_365 = tpu.vector_load %get3A_362[%get3A_363, %get3A_364] {strides = array<i32>} : memref<128x128xf32, #tpu.memory_space<vmem>>, vector<1x16xf32>,
        %get3A_366 = vector.shape_cast %get3A_365 : vector<1x16xf32> to vector<16xf32>
        %mul3A_367 = arith.constant 11.3137083 : f32
        %mul3A_368 = vector.broadcast %mul3A_367 : f32 to vector<16xf32>
        %mul3A_369 = arith.mulf %get3A_366, %mul3A_368 : vector<16xf32>
        %swap3A_370 = arith.constant 0 : i32
        %swap3A_371 = arith.constant 0 : i32
        %swap3A_372 = tpu.memref_slice %arg6[%scan3A_228, %swap3A_370, %swap3A_371] : memref<5x128x128xf32, #tpu.memory_space<vmem>> -> memref<1x128x128xf32, #tpu.memory_space<vmem>>
        %swap3A_373 = tpu.memref_squeeze %swap3A_372 : memref<1x128x128xf32, #tpu.memory_space<vmem>> -> memref<128x128xf32, #tpu.memory_space<vmem>>
        %swap3A_374 = arith.index_cast %scan3A_340 : i32 to index
        %swap3A_375 = arith.constant 16 : index
        %swap3A_376 = tpu.vector_load %swap3A_373[%swap3A_374, %swap3A_375] {strides = array<i32>} : memref<128x128xf32, #tpu.memory_space<vmem>>, vector<1x16xf32>,
        %swap3A_377 = vector.shape_cast %swap3A_376 : vector<1x16xf32> to vector<16xf32>
        %swap3A_378 = vector.shape_cast %mul3A_369 : vector<16xf32> to vector<1x16xf32>
        tpu.vector_store %swap3A_373[%swap3A_374, %swap3A_375], %swap3A_378 {strides = array<i32>} : memref<128x128xf32, #tpu.memory_space<vmem>>, vector<1x16xf32>,
        %get3A_379 = arith.constant 0 : i32
        %get3A_380 = arith.constant 0 : i32
        %get3A_381 = tpu.memref_slice %arg6[%scan3A_228, %get3A_379, %get3A_380] : memref<5x128x128xf32, #tpu.memory_space<vmem>> -> memref<1x128x128xf32, #tpu.memory_space<vmem>>
        %get3A_382 = tpu.memref_squeeze %get3A_381 : memref<1x128x128xf32, #tpu.memory_space<vmem>> -> memref<128x128xf32, #tpu.memory_space<vmem>>
        %get3A_383 = arith.index_cast %scan3A_340 : i32 to index
        %get3A_384 = arith.constant 32 : index
        %get3A_385 = tpu.vector_load %get3A_382[%get3A_383, %get3A_384] {strides = array<i32>} : memref<128x128xf32, #tpu.memory_space<vmem>>, vector<1x16xf32>,
        %get3A_386 = vector.shape_cast %get3A_385 : vector<1x16xf32> to vector<16xf32>
        %mul3A_387 = arith.constant 11.3137083 : f32
        %mul3A_388 = vector.broadcast %mul3A_387 : f32 to vector<16xf32>
        %mul3A_389 = arith.mulf %get3A_386, %mul3A_388 : vector<16xf32>
        %swap3A_390 = arith.constant 0 : i32
        %swap3A_391 = arith.constant 0 : i32
        %swap3A_392 = tpu.memref_slice %arg6[%scan3A_228, %swap3A_390, %swap3A_391] : memref<5x128x128xf32, #tpu.memory_space<vmem>> -> memref<1x128x128xf32, #tpu.memory_space<vmem>>
        %swap3A_393 = tpu.memref_squeeze %swap3A_392 : memref<1x128x128xf32, #tpu.memory_space<vmem>> -> memref<128x128xf32, #tpu.memory_space<vmem>>
        %swap3A_394 = arith.index_cast %scan3A_340 : i32 to index
        %swap3A_395 = arith.constant 32 : index
        %swap3A_396 = tpu.vector_load %swap3A_393[%swap3A_394, %swap3A_395] {strides = array<i32>} : memref<128x128xf32, #tpu.memory_space<vmem>>, vector<1x16xf32>,
        %swap3A_397 = vector.shape_cast %swap3A_396 : vector<1x16xf32> to vector<16xf32>
        %swap3A_398 = vector.shape_cast %mul3A_389 : vector<16xf32> to vector<1x16xf32>
        tpu.vector_store %swap3A_393[%swap3A_394, %swap3A_395], %swap3A_398 {strides = array<i32>} : memref<128x128xf32, #tpu.memory_space<vmem>>, vector<1x16xf32>,
        %get3A_399 = arith.constant 0 : i32
        %get3A_400 = arith.constant 0 : i32
        %get3A_401 = tpu.memref_slice %arg6[%scan3A_228, %get3A_399, %get3A_400] : memref<5x128x128xf32, #tpu.memory_space<vmem>> -> memref<1x128x128xf32, #tpu.memory_space<vmem>>
        %get3A_402 = tpu.memref_squeeze %get3A_401 : memref<1x128x128xf32, #tpu.memory_space<vmem>> -> memref<128x128xf32, #tpu.memory_space<vmem>>
        %get3A_403 = arith.index_cast %scan3A_340 : i32 to index
        %get3A_404 = arith.constant 48 : index
        %get3A_405 = tpu.vector_load %get3A_402[%get3A_403, %get3A_404] {strides = array<i32>} : memref<128x128xf32, #tpu.memory_space<vmem>>, vector<1x16xf32>,
        %get3A_406 = vector.shape_cast %get3A_405 : vector<1x16xf32> to vector<16xf32>
        %mul3A_407 = arith.constant 11.3137083 : f32
        %mul3A_408 = vector.broadcast %mul3A_407 : f32 to vector<16xf32>
        %mul3A_409 = arith.mulf %get3A_406, %mul3A_408 : vector<16xf32>
        %swap3A_410 = arith.constant 0 : i32
        %swap3A_411 = arith.constant 0 : i32
        %swap3A_412 = tpu.memref_slice %arg6[%scan3A_228, %swap3A_410, %swap3A_411] : memref<5x128x128xf32, #tpu.memory_space<vmem>> -> memref<1x128x128xf32, #tpu.memory_space<vmem>>
        %swap3A_413 = tpu.memref_squeeze %swap3A_412 : memref<1x128x128xf32, #tpu.memory_space<vmem>> -> memref<128x128xf32, #tpu.memory_space<vmem>>
        %swap3A_414 = arith.index_cast %scan3A_340 : i32 to index
        %swap3A_415 = arith.constant 48 : index
        %swap3A_416 = tpu.vector_load %swap3A_413[%swap3A_414, %swap3A_415] {strides = array<i32>} : memref<128x128xf32, #tpu.memory_space<vmem>>, vector<1x16xf32>,
        %swap3A_417 = vector.shape_cast %swap3A_416 : vector<1x16xf32> to vector<16xf32>
        %swap3A_418 = vector.shape_cast %mul3A_409 : vector<16xf32> to vector<1x16xf32>
        tpu.vector_store %swap3A_413[%swap3A_414, %swap3A_415], %swap3A_418 {strides = array<i32>} : memref<128x128xf32, #tpu.memory_space<vmem>>, vector<1x16xf32>,
        %get3A_419 = arith.constant 0 : i32
        %get3A_420 = arith.constant 0 : i32
        %get3A_421 = tpu.memref_slice %arg6[%scan3A_228, %get3A_419, %get3A_420] : memref<5x128x128xf32, #tpu.memory_space<vmem>> -> memref<1x128x128xf32, #tpu.memory_space<vmem>>
        %get3A_422 = tpu.memref_squeeze %get3A_421 : memref<1x128x128xf32, #tpu.memory_space<vmem>> -> memref<128x128xf32, #tpu.memory_space<vmem>>
        %get3A_423 = arith.index_cast %scan3A_340 : i32 to index
        %get3A_424 = arith.constant 64 : index
        %get3A_425 = tpu.vector_load %get3A_422[%get3A_423, %get3A_424] {strides = array<i32>} : memref<128x128xf32, #tpu.memory_space<vmem>>, vector<1x16xf32>,
        %get3A_426 = vector.shape_cast %get3A_425 : vector<1x16xf32> to vector<16xf32>
        %mul3A_427 = arith.constant 11.3137083 : f32
        %mul3A_428 = vector.broadcast %mul3A_427 : f32 to vector<16xf32>
        %mul3A_429 = arith.mulf %get3A_426, %mul3A_428 : vector<16xf32>
        %swap3A_430 = arith.constant 0 : i32
        %swap3A_431 = arith.constant 0 : i32
        %swap3A_432 = tpu.memref_slice %arg6[%scan3A_228, %swap3A_430, %swap3A_431] : memref<5x128x128xf32, #tpu.memory_space<vmem>> -> memref<1x128x128xf32, #tpu.memory_space<vmem>>
        %swap3A_433 = tpu.memref_squeeze %swap3A_432 : memref<1x128x128xf32, #tpu.memory_space<vmem>> -> memref<128x128xf32, #tpu.memory_space<vmem>>
        %swap3A_434 = arith.index_cast %scan3A_340 : i32 to index
        %swap3A_435 = arith.constant 64 : index
        %swap3A_436 = tpu.vector_load %swap3A_433[%swap3A_434, %swap3A_435] {strides = array<i32>} : memref<128x128xf32, #tpu.memory_space<vmem>>, vector<1x16xf32>,
        %swap3A_437 = vector.shape_cast %swap3A_436 : vector<1x16xf32> to vector<16xf32>
        %swap3A_438 = vector.shape_cast %mul3A_429 : vector<16xf32> to vector<1x16xf32>
        tpu.vector_store %swap3A_433[%swap3A_434, %swap3A_435], %swap3A_438 {strides = array<i32>} : memref<128x128xf32, #tpu.memory_space<vmem>>, vector<1x16xf32>,
        %get3A_439 = arith.constant 0 : i32
        %get3A_440 = arith.constant 0 : i32
        %get3A_441 = tpu.memref_slice %arg6[%scan3A_228, %get3A_439, %get3A_440] : memref<5x128x128xf32, #tpu.memory_space<vmem>> -> memref<1x128x128xf32, #tpu.memory_space<vmem>>
        %get3A_442 = tpu.memref_squeeze %get3A_441 : memref<1x128x128xf32, #tpu.memory_space<vmem>> -> memref<128x128xf32, #tpu.memory_space<vmem>>
        %get3A_443 = arith.index_cast %scan3A_340 : i32 to index
        %get3A_444 = arith.constant 80 : index
        %get3A_445 = tpu.vector_load %get3A_442[%get3A_443, %get3A_444] {strides = array<i32>} : memref<128x128xf32, #tpu.memory_space<vmem>>, vector<1x16xf32>,
        %get3A_446 = vector.shape_cast %get3A_445 : vector<1x16xf32> to vector<16xf32>
        %mul3A_447 = arith.constant 11.3137083 : f32
        %mul3A_448 = vector.broadcast %mul3A_447 : f32 to vector<16xf32>
        %mul3A_449 = arith.mulf %get3A_446, %mul3A_448 : vector<16xf32>
        %swap3A_450 = arith.constant 0 : i32
        %swap3A_451 = arith.constant 0 : i32
        %swap3A_452 = tpu.memref_slice %arg6[%scan3A_228, %swap3A_450, %swap3A_451] : memref<5x128x128xf32, #tpu.memory_space<vmem>> -> memref<1x128x128xf32, #tpu.memory_space<vmem>>
        %swap3A_453 = tpu.memref_squeeze %swap3A_452 : memref<1x128x128xf32, #tpu.memory_space<vmem>> -> memref<128x128xf32, #tpu.memory_space<vmem>>
        %swap3A_454 = arith.index_cast %scan3A_340 : i32 to index
        %swap3A_455 = arith.constant 80 : index
        %swap3A_456 = tpu.vector_load %swap3A_453[%swap3A_454, %swap3A_455] {strides = array<i32>} : memref<128x128xf32, #tpu.memory_space<vmem>>, vector<1x16xf32>,
        %swap3A_457 = vector.shape_cast %swap3A_456 : vector<1x16xf32> to vector<16xf32>
        %swap3A_458 = vector.shape_cast %mul3A_449 : vector<16xf32> to vector<1x16xf32>
        tpu.vector_store %swap3A_453[%swap3A_454, %swap3A_455], %swap3A_458 {strides = array<i32>} : memref<128x128xf32, #tpu.memory_space<vmem>>, vector<1x16xf32>,
        %get3A_459 = arith.constant 0 : i32
        %get3A_460 = arith.constant 0 : i32
        %get3A_461 = tpu.memref_slice %arg6[%scan3A_228, %get3A_459, %get3A_460] : memref<5x128x128xf32, #tpu.memory_space<vmem>> -> memref<1x128x128xf32, #tpu.memory_space<vmem>>
        %get3A_462 = tpu.memref_squeeze %get3A_461 : memref<1x128x128xf32, #tpu.memory_space<vmem>> -> memref<128x128xf32, #tpu.memory_space<vmem>>
        %get3A_463 = arith.index_cast %scan3A_340 : i32 to index
        %get3A_464 = arith.constant 96 : index
        %get3A_465 = tpu.vector_load %get3A_462[%get3A_463, %get3A_464] {strides = array<i32>} : memref<128x128xf32, #tpu.memory_space<vmem>>, vector<1x16xf32>,
        %get3A_466 = vector.shape_cast %get3A_465 : vector<1x16xf32> to vector<16xf32>
        %mul3A_467 = arith.constant 11.3137083 : f32
        %mul3A_468 = vector.broadcast %mul3A_467 : f32 to vector<16xf32>
        %mul3A_469 = arith.mulf %get3A_466, %mul3A_468 : vector<16xf32>
        %swap3A_470 = arith.constant 0 : i32
        %swap3A_471 = arith.constant 0 : i32
        %swap3A_472 = tpu.memref_slice %arg6[%scan3A_228, %swap3A_470, %swap3A_471] : memref<5x128x128xf32, #tpu.memory_space<vmem>> -> memref<1x128x128xf32, #tpu.memory_space<vmem>>
        %swap3A_473 = tpu.memref_squeeze %swap3A_472 : memref<1x128x128xf32, #tpu.memory_space<vmem>> -> memref<128x128xf32, #tpu.memory_space<vmem>>
        %swap3A_474 = arith.index_cast %scan3A_340 : i32 to index
        %swap3A_475 = arith.constant 96 : index
        %swap3A_476 = tpu.vector_load %swap3A_473[%swap3A_474, %swap3A_475] {strides = array<i32>} : memref<128x128xf32, #tpu.memory_space<vmem>>, vector<1x16xf32>,
        %swap3A_477 = vector.shape_cast %swap3A_476 : vector<1x16xf32> to vector<16xf32>
        %swap3A_478 = vector.shape_cast %mul3A_469 : vector<16xf32> to vector<1x16xf32>
        tpu.vector_store %swap3A_473[%swap3A_474, %swap3A_475], %swap3A_478 {strides = array<i32>} : memref<128x128xf32, #tpu.memory_space<vmem>>, vector<1x16xf32>,
        %get3A_479 = arith.constant 0 : i32
        %get3A_480 = arith.constant 0 : i32
        %get3A_481 = tpu.memref_slice %arg6[%scan3A_228, %get3A_479, %get3A_480] : memref<5x128x128xf32, #tpu.memory_space<vmem>> -> memref<1x128x128xf32, #tpu.memory_space<vmem>>
        %get3A_482 = tpu.memref_squeeze %get3A_481 : memref<1x128x128xf32, #tpu.memory_space<vmem>> -> memref<128x128xf32, #tpu.memory_space<vmem>>
        %get3A_483 = arith.index_cast %scan3A_340 : i32 to index
        %get3A_484 = arith.constant 112 : index
        %get3A_485 = tpu.vector_load %get3A_482[%get3A_483, %get3A_484] {strides = array<i32>} : memref<128x128xf32, #tpu.memory_space<vmem>>, vector<1x16xf32>,
        %get3A_486 = vector.shape_cast %get3A_485 : vector<1x16xf32> to vector<16xf32>
        %mul3A_487 = arith.constant 11.3137083 : f32
        %mul3A_488 = vector.broadcast %mul3A_487 : f32 to vector<16xf32>
        %mul3A_489 = arith.mulf %get3A_486, %mul3A_488 : vector<16xf32>
        %swap3A_490 = arith.constant 0 : i32
        %swap3A_491 = arith.constant 0 : i32
        %swap3A_492 = tpu.memref_slice %arg6[%scan3A_228, %swap3A_490, %swap3A_491] : memref<5x128x128xf32, #tpu.memory_space<vmem>> -> memref<1x128x128xf32, #tpu.memory_space<vmem>>
        %swap3A_493 = tpu.memref_squeeze %swap3A_492 : memref<1x128x128xf32, #tpu.memory_space<vmem>> -> memref<128x128xf32, #tpu.memory_space<vmem>>
        %swap3A_494 = arith.index_cast %scan3A_340 : i32 to index
        %swap3A_495 = arith.constant 112 : index
        %swap3A_496 = tpu.vector_load %swap3A_493[%swap3A_494, %swap3A_495] {strides = array<i32>} : memref<128x128xf32, #tpu.memory_space<vmem>>, vector<1x16xf32>,
        %swap3A_497 = vector.shape_cast %swap3A_496 : vector<1x16xf32> to vector<16xf32>
        %swap3A_498 = vector.shape_cast %mul3A_489 : vector<16xf32> to vector<1x16xf32>
        tpu.vector_store %swap3A_493[%swap3A_494, %swap3A_495], %swap3A_498 {strides = array<i32>} : memref<128x128xf32, #tpu.memory_space<vmem>>, vector<1x16xf32>,
      }
      %scan3A_233 = arith.constant 128 : i32
      %mul3A_234 = arith.constant 128 : i32
      %mul3A_235 = arith.muli %add3A_208, %mul3A_234 : i32
      %add3A_236 = arith.addi %mul3A_2, %mul3A_235 : i32
      %dma_start3A_237 = arith.constant 2 : i32
      %dma_start3A_238 = arith.constant 0 : i32
      %dma_start3A_239 = arith.constant 0 : i32
      %dma_start3A_240 = tpu.memref_slice %arg6[%dma_start3A_237, %dma_start3A_238, %dma_start3A_239] : memref<5x128x128xf32, #tpu.memory_space<vmem>> -> memref<1x128x128xf32, #tpu.memory_space<vmem>>
      %dma_start3A_241 = tpu.memref_squeeze %dma_start3A_240 : memref<1x128x128xf32, #tpu.memory_space<vmem>> -> memref<128x128xf32, #tpu.memory_space<vmem>>
      %dma_start3A_242 = arith.constant 0 : i32
      %dma_start3A_243 = tpu.memref_slice %arg4[%add3A_236, %dma_start3A_242] : memref<819200x128xf32, #tpu.memory_space<hbm>> -> memref<128x128xf32, #tpu.memory_space<hbm>>
      %dma_start3A_244 = arith.constant 0 : i32
      %dma_start3A_245 = tpu.memref_slice %arg4[%add3A_236, %dma_start3A_244] : memref<819200x128xf32, #tpu.memory_space<hbm>> -> memref<128x128xf32, #tpu.memory_space<hbm>>
      %dma_start3A_246 = arith.constant 0 : i32
      %dma_start3A_247 = arith.constant 0 : i32
      %dma_start3A_248 = tpu.memref_slice %arg6[%dma_start3A_237, %dma_start3A_246, %dma_start3A_247] : memref<5x128x128xf32, #tpu.memory_space<vmem>> -> memref<1x128x128xf32, #tpu.memory_space<vmem>>
      %dma_start3A_249 = tpu.memref_squeeze %dma_start3A_248 : memref<1x128x128xf32, #tpu.memory_space<vmem>> -> memref<128x128xf32, #tpu.memory_space<vmem>>
      tpu.enqueue_dma source(%dma_start3A_249 : memref<128x128xf32, #tpu.memory_space<vmem>>) target(%dma_start3A_245 : memref<128x128xf32, #tpu.memory_space<hbm>>) target_semaphore(%arg14 : memref<!tpu.dma_semaphore, #tpu.memory_space<semaphore_mem>>)
      %mul3A_250 = arith.constant 5 : i32
      %mul3A_251 = arith.muli %scan3A_117, %mul3A_250 : i32
      %add3A_252 = arith.constant 3 : i32
      %add3A_253 = arith.addi %mul3A_251, %add3A_252 : i32
      %add3A_254 = arith.constant 3 : i32
      %add3A_255 = arith.addi %add3A_253, %add3A_254 : i32
      %lt3A_256 = arith.constant 200 : i32
      %lt3A_257 = arith.cmpi slt, %add3A_255, %lt3A_256 : i32
      %convert_element_type3A_258 = arith.extui %lt3A_257 : i1 to i32
      %cond3A_259 = arith.constant 0 : i32
      %cond3A_260 = arith.cmpi ne, %convert_element_type3A_258, %cond3A_259 : i32
      scf.if %cond3A_260 {
        %add3A_340 = arith.constant 3 : i32
        %add3A_341 = arith.addi %add3A_253, %add3A_340 : i32
        %ge3A = arith.constant 5 : i32
        %ge3A_342 = arith.cmpi sge, %add3A_341, %ge3A : i32
        %convert_element_type3A_343 = arith.extui %ge3A_342 : i1 to i32
        %cond3A_344 = arith.constant 0 : i32
        %cond3A_345 = arith.cmpi ne, %convert_element_type3A_343, %cond3A_344 : i32
        scf.if %cond3A_345 {
          %add3A_359 = arith.constant 3 : i32
          %add3A_360 = arith.addi %add3A_253, %add3A_359 : i32
          %sub3A = arith.constant 5 : i32
          %sub3A_361 = arith.subi %add3A_360, %sub3A : i32
          %mul3A_362 = arith.constant 128 : i32
          %mul3A_363 = arith.muli %sub3A_361, %mul3A_362 : i32
          %add3A_364 = arith.addi %mul3A_2, %mul3A_363 : i32
          %dma_wait3A_365 = arith.constant 1 : i32
          %dma_wait3A_366 = arith.constant 0 : i32
          %dma_wait3A_367 = arith.constant 0 : i32
          %dma_wait3A_368 = tpu.memref_slice %arg6[%dma_wait3A_365, %dma_wait3A_366, %dma_wait3A_367] : memref<5x128x128xf32, #tpu.memory_space<vmem>> -> memref<1x128x128xf32, #tpu.memory_space<vmem>>
          %dma_wait3A_369 = tpu.memref_squeeze %dma_wait3A_368 : memref<1x128x128xf32, #tpu.memory_space<vmem>> -> memref<128x128xf32, #tpu.memory_space<vmem>>
          %dma_wait3A_370 = arith.constant 0 : i32
          %dma_wait3A_371 = tpu.memref_slice %arg4[%add3A_364, %dma_wait3A_370] : memref<819200x128xf32, #tpu.memory_space<hbm>> -> memref<128x128xf32, #tpu.memory_space<hbm>>
          %dma_wait3A_372 = arith.constant 0 : i32
          %dma_wait3A_373 = tpu.memref_slice %arg4[%add3A_364, %dma_wait3A_372] : memref<819200x128xf32, #tpu.memory_space<hbm>> -> memref<128x128xf32, #tpu.memory_space<hbm>>
          %dma_wait3A_374 = arith.constant 0 : i32
          %dma_wait3A_375 = arith.constant 0 : i32
          %dma_wait3A_376 = tpu.memref_slice %arg6[%dma_wait3A_365, %dma_wait3A_374, %dma_wait3A_375] : memref<5x128x128xf32, #tpu.memory_space<vmem>> -> memref<1x128x128xf32, #tpu.memory_space<vmem>>
          %dma_wait3A_377 = tpu.memref_squeeze %dma_wait3A_376 : memref<1x128x128xf32, #tpu.memory_space<vmem>> -> memref<128x128xf32, #tpu.memory_space<vmem>>
          tpu.wait_dma2 semaphore(%arg13 : memref<!tpu.dma_semaphore, #tpu.memory_space<semaphore_mem>>) src(%dma_wait3A_377 : memref<128x128xf32, #tpu.memory_space<vmem>>) dst(%dma_wait3A_373 : memref<128x128xf32, #tpu.memory_space<hbm>>)
        } else {
        }
        %add3A_346 = arith.constant 3 : i32
        %add3A_347 = arith.addi %add3A_253, %add3A_346 : i32
        %dma_start3A_348 = arith.constant 1 : i32
        %dma_start3A_349 = arith.constant 0 : i32
        %dma_start3A_350 = arith.constant 0 : i32
        %dma_start3A_351 = tpu.memref_slice %arg6[%dma_start3A_348, %dma_start3A_349, %dma_start3A_350] : memref<5x128x128xf32, #tpu.memory_space<vmem>> -> memref<1x128x128xf32, #tpu.memory_space<vmem>>
        %dma_start3A_352 = tpu.memref_squeeze %dma_start3A_351 : memref<1x128x128xf32, #tpu.memory_space<vmem>> -> memref<128x128xf32, #tpu.memory_space<vmem>>
        %dma_start3A_353 = arith.constant 0 : i32
        %dma_start3A_354 = tpu.memref_slice %arg5[%add3A_347, %dma_start3A_353] : memref<200x128xi32, #tpu.memory_space<vmem>> -> memref<1x128xi32, #tpu.memory_space<vmem>>
        %dma_start3A_355 = tpu.memref_squeeze %dma_start3A_354 : memref<1x128xi32, #tpu.memory_space<vmem>> -> memref<128xi32, #tpu.memory_space<vmem>>
        %dma_start3A_356 = arith.constant 0 : i32
        %dma_start3A_357 = arith.constant 0 : i32
        %dma_start3A_358 = tpu.memref_slice %arg3[%dma_start3A_356, %dma_start3A_357] : memref<100000x128xf32, #tpu.memory_space<hbm>> -> memref<100000x128xf32, #tpu.memory_space<hbm>>
        tpu.enqueue_indirect_dma source(%dma_start3A_358 : memref<100000x128xf32, #tpu.memory_space<hbm>>) target(%dma_start3A_352 : memref<128x128xf32, #tpu.memory_space<vmem>>) offsets(%dma_start3A_355 : memref<128xi32, #tpu.memory_space<vmem>>) semaphore(%arg8 : memref<!tpu.dma_semaphore, #tpu.memory_space<semaphore_mem>>)
      } else {
      }
      %dma_wait3A_261 = arith.constant 3 : i32
      %dma_wait3A_262 = arith.constant 0 : i32
      %dma_wait3A_263 = arith.constant 0 : i32
      %dma_wait3A_264 = tpu.memref_slice %arg6[%dma_wait3A_261, %dma_wait3A_262, %dma_wait3A_263] : memref<5x128x128xf32, #tpu.memory_space<vmem>> -> memref<1x128x128xf32, #tpu.memory_space<vmem>>
      %dma_wait3A_265 = tpu.memref_squeeze %dma_wait3A_264 : memref<1x128x128xf32, #tpu.memory_space<vmem>> -> memref<128x128xf32, #tpu.memory_space<vmem>>
      %dma_wait3A_266 = arith.constant 0 : i32
      %dma_wait3A_267 = tpu.memref_slice %arg5[%add3A_253, %dma_wait3A_266] : memref<200x128xi32, #tpu.memory_space<vmem>> -> memref<1x128xi32, #tpu.memory_space<vmem>>
      %dma_wait3A_268 = tpu.memref_squeeze %dma_wait3A_267 : memref<1x128xi32, #tpu.memory_space<vmem>> -> memref<128xi32, #tpu.memory_space<vmem>>
      %dma_wait3A_269 = arith.constant 0 : i32
      %dma_wait3A_270 = arith.constant 0 : i32
      %dma_wait3A_271 = tpu.memref_slice %arg3[%dma_wait3A_269, %dma_wait3A_270] : memref<100000x128xf32, #tpu.memory_space<hbm>> -> memref<100000x128xf32, #tpu.memory_space<hbm>>
      tpu.wait_indirect_dma semaphore(%arg10 : memref<!tpu.dma_semaphore, #tpu.memory_space<semaphore_mem>>) src(%dma_wait3A_271 : memref<100000x128xf32, #tpu.memory_space<hbm>>) dst(%dma_wait3A_265 : memref<128x128xf32, #tpu.memory_space<vmem>>)
      %scan3A_272 = arith.constant 0 : i32
      %scan3A_273 = arith.constant 3 : i32
      %scan3A_274 = arith.constant 0 : i32
      %scan3A_275 = arith.constant 128 : i32
      %scan3A_276 = arith.addi %scan3A_274, %scan3A_275 : i32
      %scan3A_277 = arith.constant 1 : i32
      scf.for %scan3A_340 = %scan3A_274 to %scan3A_276 step %scan3A_277  : i32 {
        %get3A = arith.constant 0 : i32
        %get3A_341 = arith.constant 0 : i32
        %get3A_342 = tpu.memref_slice %arg6[%scan3A_273, %get3A, %get3A_341] : memref<5x128x128xf32, #tpu.memory_space<vmem>> -> memref<1x128x128xf32, #tpu.memory_space<vmem>>
        %get3A_343 = tpu.memref_squeeze %get3A_342 : memref<1x128x128xf32, #tpu.memory_space<vmem>> -> memref<128x128xf32, #tpu.memory_space<vmem>>
        %get3A_344 = arith.index_cast %scan3A_340 : i32 to index
        %get3A_345 = arith.constant 0 : index
        %get3A_346 = tpu.vector_load %get3A_343[%get3A_344, %get3A_345] {strides = array<i32>} : memref<128x128xf32, #tpu.memory_space<vmem>>, vector<1x16xf32>,
        %get3A_347 = vector.shape_cast %get3A_346 : vector<1x16xf32> to vector<16xf32>
        %mul3A_348 = arith.constant 11.3137083 : f32
        %mul3A_349 = vector.broadcast %mul3A_348 : f32 to vector<16xf32>
        %mul3A_350 = arith.mulf %get3A_347, %mul3A_349 : vector<16xf32>
        %swap3A = arith.constant 0 : i32
        %swap3A_351 = arith.constant 0 : i32
        %swap3A_352 = tpu.memref_slice %arg6[%scan3A_273, %swap3A, %swap3A_351] : memref<5x128x128xf32, #tpu.memory_space<vmem>> -> memref<1x128x128xf32, #tpu.memory_space<vmem>>
        %swap3A_353 = tpu.memref_squeeze %swap3A_352 : memref<1x128x128xf32, #tpu.memory_space<vmem>> -> memref<128x128xf32, #tpu.memory_space<vmem>>
        %swap3A_354 = arith.index_cast %scan3A_340 : i32 to index
        %swap3A_355 = arith.constant 0 : index
        %swap3A_356 = tpu.vector_load %swap3A_353[%swap3A_354, %swap3A_355] {strides = array<i32>} : memref<128x128xf32, #tpu.memory_space<vmem>>, vector<1x16xf32>,
        %swap3A_357 = vector.shape_cast %swap3A_356 : vector<1x16xf32> to vector<16xf32>
        %swap3A_358 = vector.shape_cast %mul3A_350 : vector<16xf32> to vector<1x16xf32>
        tpu.vector_store %swap3A_353[%swap3A_354, %swap3A_355], %swap3A_358 {strides = array<i32>} : memref<128x128xf32, #tpu.memory_space<vmem>>, vector<1x16xf32>,
        %get3A_359 = arith.constant 0 : i32
        %get3A_360 = arith.constant 0 : i32
        %get3A_361 = tpu.memref_slice %arg6[%scan3A_273, %get3A_359, %get3A_360] : memref<5x128x128xf32, #tpu.memory_space<vmem>> -> memref<1x128x128xf32, #tpu.memory_space<vmem>>
        %get3A_362 = tpu.memref_squeeze %get3A_361 : memref<1x128x128xf32, #tpu.memory_space<vmem>> -> memref<128x128xf32, #tpu.memory_space<vmem>>
        %get3A_363 = arith.index_cast %scan3A_340 : i32 to index
        %get3A_364 = arith.constant 16 : index
        %get3A_365 = tpu.vector_load %get3A_362[%get3A_363, %get3A_364] {strides = array<i32>} : memref<128x128xf32, #tpu.memory_space<vmem>>, vector<1x16xf32>,
        %get3A_366 = vector.shape_cast %get3A_365 : vector<1x16xf32> to vector<16xf32>
        %mul3A_367 = arith.constant 11.3137083 : f32
        %mul3A_368 = vector.broadcast %mul3A_367 : f32 to vector<16xf32>
        %mul3A_369 = arith.mulf %get3A_366, %mul3A_368 : vector<16xf32>
        %swap3A_370 = arith.constant 0 : i32
        %swap3A_371 = arith.constant 0 : i32
        %swap3A_372 = tpu.memref_slice %arg6[%scan3A_273, %swap3A_370, %swap3A_371] : memref<5x128x128xf32, #tpu.memory_space<vmem>> -> memref<1x128x128xf32, #tpu.memory_space<vmem>>
        %swap3A_373 = tpu.memref_squeeze %swap3A_372 : memref<1x128x128xf32, #tpu.memory_space<vmem>> -> memref<128x128xf32, #tpu.memory_space<vmem>>
        %swap3A_374 = arith.index_cast %scan3A_340 : i32 to index
        %swap3A_375 = arith.constant 16 : index
        %swap3A_376 = tpu.vector_load %swap3A_373[%swap3A_374, %swap3A_375] {strides = array<i32>} : memref<128x128xf32, #tpu.memory_space<vmem>>, vector<1x16xf32>,
        %swap3A_377 = vector.shape_cast %swap3A_376 : vector<1x16xf32> to vector<16xf32>
        %swap3A_378 = vector.shape_cast %mul3A_369 : vector<16xf32> to vector<1x16xf32>
        tpu.vector_store %swap3A_373[%swap3A_374, %swap3A_375], %swap3A_378 {strides = array<i32>} : memref<128x128xf32, #tpu.memory_space<vmem>>, vector<1x16xf32>,
        %get3A_379 = arith.constant 0 : i32
        %get3A_380 = arith.constant 0 : i32
        %get3A_381 = tpu.memref_slice %arg6[%scan3A_273, %get3A_379, %get3A_380] : memref<5x128x128xf32, #tpu.memory_space<vmem>> -> memref<1x128x128xf32, #tpu.memory_space<vmem>>
        %get3A_382 = tpu.memref_squeeze %get3A_381 : memref<1x128x128xf32, #tpu.memory_space<vmem>> -> memref<128x128xf32, #tpu.memory_space<vmem>>
        %get3A_383 = arith.index_cast %scan3A_340 : i32 to index
        %get3A_384 = arith.constant 32 : index
        %get3A_385 = tpu.vector_load %get3A_382[%get3A_383, %get3A_384] {strides = array<i32>} : memref<128x128xf32, #tpu.memory_space<vmem>>, vector<1x16xf32>,
        %get3A_386 = vector.shape_cast %get3A_385 : vector<1x16xf32> to vector<16xf32>
        %mul3A_387 = arith.constant 11.3137083 : f32
        %mul3A_388 = vector.broadcast %mul3A_387 : f32 to vector<16xf32>
        %mul3A_389 = arith.mulf %get3A_386, %mul3A_388 : vector<16xf32>
        %swap3A_390 = arith.constant 0 : i32
        %swap3A_391 = arith.constant 0 : i32
        %swap3A_392 = tpu.memref_slice %arg6[%scan3A_273, %swap3A_390, %swap3A_391] : memref<5x128x128xf32, #tpu.memory_space<vmem>> -> memref<1x128x128xf32, #tpu.memory_space<vmem>>
        %swap3A_393 = tpu.memref_squeeze %swap3A_392 : memref<1x128x128xf32, #tpu.memory_space<vmem>> -> memref<128x128xf32, #tpu.memory_space<vmem>>
        %swap3A_394 = arith.index_cast %scan3A_340 : i32 to index
        %swap3A_395 = arith.constant 32 : index
        %swap3A_396 = tpu.vector_load %swap3A_393[%swap3A_394, %swap3A_395] {strides = array<i32>} : memref<128x128xf32, #tpu.memory_space<vmem>>, vector<1x16xf32>,
        %swap3A_397 = vector.shape_cast %swap3A_396 : vector<1x16xf32> to vector<16xf32>
        %swap3A_398 = vector.shape_cast %mul3A_389 : vector<16xf32> to vector<1x16xf32>
        tpu.vector_store %swap3A_393[%swap3A_394, %swap3A_395], %swap3A_398 {strides = array<i32>} : memref<128x128xf32, #tpu.memory_space<vmem>>, vector<1x16xf32>,
        %get3A_399 = arith.constant 0 : i32
        %get3A_400 = arith.constant 0 : i32
        %get3A_401 = tpu.memref_slice %arg6[%scan3A_273, %get3A_399, %get3A_400] : memref<5x128x128xf32, #tpu.memory_space<vmem>> -> memref<1x128x128xf32, #tpu.memory_space<vmem>>
        %get3A_402 = tpu.memref_squeeze %get3A_401 : memref<1x128x128xf32, #tpu.memory_space<vmem>> -> memref<128x128xf32, #tpu.memory_space<vmem>>
        %get3A_403 = arith.index_cast %scan3A_340 : i32 to index
        %get3A_404 = arith.constant 48 : index
        %get3A_405 = tpu.vector_load %get3A_402[%get3A_403, %get3A_404] {strides = array<i32>} : memref<128x128xf32, #tpu.memory_space<vmem>>, vector<1x16xf32>,
        %get3A_406 = vector.shape_cast %get3A_405 : vector<1x16xf32> to vector<16xf32>
        %mul3A_407 = arith.constant 11.3137083 : f32
        %mul3A_408 = vector.broadcast %mul3A_407 : f32 to vector<16xf32>
        %mul3A_409 = arith.mulf %get3A_406, %mul3A_408 : vector<16xf32>
        %swap3A_410 = arith.constant 0 : i32
        %swap3A_411 = arith.constant 0 : i32
        %swap3A_412 = tpu.memref_slice %arg6[%scan3A_273, %swap3A_410, %swap3A_411] : memref<5x128x128xf32, #tpu.memory_space<vmem>> -> memref<1x128x128xf32, #tpu.memory_space<vmem>>
        %swap3A_413 = tpu.memref_squeeze %swap3A_412 : memref<1x128x128xf32, #tpu.memory_space<vmem>> -> memref<128x128xf32, #tpu.memory_space<vmem>>
        %swap3A_414 = arith.index_cast %scan3A_340 : i32 to index
        %swap3A_415 = arith.constant 48 : index
        %swap3A_416 = tpu.vector_load %swap3A_413[%swap3A_414, %swap3A_415] {strides = array<i32>} : memref<128x128xf32, #tpu.memory_space<vmem>>, vector<1x16xf32>,
        %swap3A_417 = vector.shape_cast %swap3A_416 : vector<1x16xf32> to vector<16xf32>
        %swap3A_418 = vector.shape_cast %mul3A_409 : vector<16xf32> to vector<1x16xf32>
        tpu.vector_store %swap3A_413[%swap3A_414, %swap3A_415], %swap3A_418 {strides = array<i32>} : memref<128x128xf32, #tpu.memory_space<vmem>>, vector<1x16xf32>,
        %get3A_419 = arith.constant 0 : i32
        %get3A_420 = arith.constant 0 : i32
        %get3A_421 = tpu.memref_slice %arg6[%scan3A_273, %get3A_419, %get3A_420] : memref<5x128x128xf32, #tpu.memory_space<vmem>> -> memref<1x128x128xf32, #tpu.memory_space<vmem>>
        %get3A_422 = tpu.memref_squeeze %get3A_421 : memref<1x128x128xf32, #tpu.memory_space<vmem>> -> memref<128x128xf32, #tpu.memory_space<vmem>>
        %get3A_423 = arith.index_cast %scan3A_340 : i32 to index
        %get3A_424 = arith.constant 64 : index
        %get3A_425 = tpu.vector_load %get3A_422[%get3A_423, %get3A_424] {strides = array<i32>} : memref<128x128xf32, #tpu.memory_space<vmem>>, vector<1x16xf32>,
        %get3A_426 = vector.shape_cast %get3A_425 : vector<1x16xf32> to vector<16xf32>
        %mul3A_427 = arith.constant 11.3137083 : f32
        %mul3A_428 = vector.broadcast %mul3A_427 : f32 to vector<16xf32>
        %mul3A_429 = arith.mulf %get3A_426, %mul3A_428 : vector<16xf32>
        %swap3A_430 = arith.constant 0 : i32
        %swap3A_431 = arith.constant 0 : i32
        %swap3A_432 = tpu.memref_slice %arg6[%scan3A_273, %swap3A_430, %swap3A_431] : memref<5x128x128xf32, #tpu.memory_space<vmem>> -> memref<1x128x128xf32, #tpu.memory_space<vmem>>
        %swap3A_433 = tpu.memref_squeeze %swap3A_432 : memref<1x128x128xf32, #tpu.memory_space<vmem>> -> memref<128x128xf32, #tpu.memory_space<vmem>>
        %swap3A_434 = arith.index_cast %scan3A_340 : i32 to index
        %swap3A_435 = arith.constant 64 : index
        %swap3A_436 = tpu.vector_load %swap3A_433[%swap3A_434, %swap3A_435] {strides = array<i32>} : memref<128x128xf32, #tpu.memory_space<vmem>>, vector<1x16xf32>,
        %swap3A_437 = vector.shape_cast %swap3A_436 : vector<1x16xf32> to vector<16xf32>
        %swap3A_438 = vector.shape_cast %mul3A_429 : vector<16xf32> to vector<1x16xf32>
        tpu.vector_store %swap3A_433[%swap3A_434, %swap3A_435], %swap3A_438 {strides = array<i32>} : memref<128x128xf32, #tpu.memory_space<vmem>>, vector<1x16xf32>,
        %get3A_439 = arith.constant 0 : i32
        %get3A_440 = arith.constant 0 : i32
        %get3A_441 = tpu.memref_slice %arg6[%scan3A_273, %get3A_439, %get3A_440] : memref<5x128x128xf32, #tpu.memory_space<vmem>> -> memref<1x128x128xf32, #tpu.memory_space<vmem>>
        %get3A_442 = tpu.memref_squeeze %get3A_441 : memref<1x128x128xf32, #tpu.memory_space<vmem>> -> memref<128x128xf32, #tpu.memory_space<vmem>>
        %get3A_443 = arith.index_cast %scan3A_340 : i32 to index
        %get3A_444 = arith.constant 80 : index
        %get3A_445 = tpu.vector_load %get3A_442[%get3A_443, %get3A_444] {strides = array<i32>} : memref<128x128xf32, #tpu.memory_space<vmem>>, vector<1x16xf32>,
        %get3A_446 = vector.shape_cast %get3A_445 : vector<1x16xf32> to vector<16xf32>
        %mul3A_447 = arith.constant 11.3137083 : f32
        %mul3A_448 = vector.broadcast %mul3A_447 : f32 to vector<16xf32>
        %mul3A_449 = arith.mulf %get3A_446, %mul3A_448 : vector<16xf32>
        %swap3A_450 = arith.constant 0 : i32
        %swap3A_451 = arith.constant 0 : i32
        %swap3A_452 = tpu.memref_slice %arg6[%scan3A_273, %swap3A_450, %swap3A_451] : memref<5x128x128xf32, #tpu.memory_space<vmem>> -> memref<1x128x128xf32, #tpu.memory_space<vmem>>
        %swap3A_453 = tpu.memref_squeeze %swap3A_452 : memref<1x128x128xf32, #tpu.memory_space<vmem>> -> memref<128x128xf32, #tpu.memory_space<vmem>>
        %swap3A_454 = arith.index_cast %scan3A_340 : i32 to index
        %swap3A_455 = arith.constant 80 : index
        %swap3A_456 = tpu.vector_load %swap3A_453[%swap3A_454, %swap3A_455] {strides = array<i32>} : memref<128x128xf32, #tpu.memory_space<vmem>>, vector<1x16xf32>,
        %swap3A_457 = vector.shape_cast %swap3A_456 : vector<1x16xf32> to vector<16xf32>
        %swap3A_458 = vector.shape_cast %mul3A_449 : vector<16xf32> to vector<1x16xf32>
        tpu.vector_store %swap3A_453[%swap3A_454, %swap3A_455], %swap3A_458 {strides = array<i32>} : memref<128x128xf32, #tpu.memory_space<vmem>>, vector<1x16xf32>,
        %get3A_459 = arith.constant 0 : i32
        %get3A_460 = arith.constant 0 : i32
        %get3A_461 = tpu.memref_slice %arg6[%scan3A_273, %get3A_459, %get3A_460] : memref<5x128x128xf32, #tpu.memory_space<vmem>> -> memref<1x128x128xf32, #tpu.memory_space<vmem>>
        %get3A_462 = tpu.memref_squeeze %get3A_461 : memref<1x128x128xf32, #tpu.memory_space<vmem>> -> memref<128x128xf32, #tpu.memory_space<vmem>>
        %get3A_463 = arith.index_cast %scan3A_340 : i32 to index
        %get3A_464 = arith.constant 96 : index
        %get3A_465 = tpu.vector_load %get3A_462[%get3A_463, %get3A_464] {strides = array<i32>} : memref<128x128xf32, #tpu.memory_space<vmem>>, vector<1x16xf32>,
        %get3A_466 = vector.shape_cast %get3A_465 : vector<1x16xf32> to vector<16xf32>
        %mul3A_467 = arith.constant 11.3137083 : f32
        %mul3A_468 = vector.broadcast %mul3A_467 : f32 to vector<16xf32>
        %mul3A_469 = arith.mulf %get3A_466, %mul3A_468 : vector<16xf32>
        %swap3A_470 = arith.constant 0 : i32
        %swap3A_471 = arith.constant 0 : i32
        %swap3A_472 = tpu.memref_slice %arg6[%scan3A_273, %swap3A_470, %swap3A_471] : memref<5x128x128xf32, #tpu.memory_space<vmem>> -> memref<1x128x128xf32, #tpu.memory_space<vmem>>
        %swap3A_473 = tpu.memref_squeeze %swap3A_472 : memref<1x128x128xf32, #tpu.memory_space<vmem>> -> memref<128x128xf32, #tpu.memory_space<vmem>>
        %swap3A_474 = arith.index_cast %scan3A_340 : i32 to index
        %swap3A_475 = arith.constant 96 : index
        %swap3A_476 = tpu.vector_load %swap3A_473[%swap3A_474, %swap3A_475] {strides = array<i32>} : memref<128x128xf32, #tpu.memory_space<vmem>>, vector<1x16xf32>,
        %swap3A_477 = vector.shape_cast %swap3A_476 : vector<1x16xf32> to vector<16xf32>
        %swap3A_478 = vector.shape_cast %mul3A_469 : vector<16xf32> to vector<1x16xf32>
        tpu.vector_store %swap3A_473[%swap3A_474, %swap3A_475], %swap3A_478 {strides = array<i32>} : memref<128x128xf32, #tpu.memory_space<vmem>>, vector<1x16xf32>,
        %get3A_479 = arith.constant 0 : i32
        %get3A_480 = arith.constant 0 : i32
        %get3A_481 = tpu.memref_slice %arg6[%scan3A_273, %get3A_479, %get3A_480] : memref<5x128x128xf32, #tpu.memory_space<vmem>> -> memref<1x128x128xf32, #tpu.memory_space<vmem>>
        %get3A_482 = tpu.memref_squeeze %get3A_481 : memref<1x128x128xf32, #tpu.memory_space<vmem>> -> memref<128x128xf32, #tpu.memory_space<vmem>>
        %get3A_483 = arith.index_cast %scan3A_340 : i32 to index
        %get3A_484 = arith.constant 112 : index
        %get3A_485 = tpu.vector_load %get3A_482[%get3A_483, %get3A_484] {strides = array<i32>} : memref<128x128xf32, #tpu.memory_space<vmem>>, vector<1x16xf32>,
        %get3A_486 = vector.shape_cast %get3A_485 : vector<1x16xf32> to vector<16xf32>
        %mul3A_487 = arith.constant 11.3137083 : f32
        %mul3A_488 = vector.broadcast %mul3A_487 : f32 to vector<16xf32>
        %mul3A_489 = arith.mulf %get3A_486, %mul3A_488 : vector<16xf32>
        %swap3A_490 = arith.constant 0 : i32
        %swap3A_491 = arith.constant 0 : i32
        %swap3A_492 = tpu.memref_slice %arg6[%scan3A_273, %swap3A_490, %swap3A_491] : memref<5x128x128xf32, #tpu.memory_space<vmem>> -> memref<1x128x128xf32, #tpu.memory_space<vmem>>
        %swap3A_493 = tpu.memref_squeeze %swap3A_492 : memref<1x128x128xf32, #tpu.memory_space<vmem>> -> memref<128x128xf32, #tpu.memory_space<vmem>>
        %swap3A_494 = arith.index_cast %scan3A_340 : i32 to index
        %swap3A_495 = arith.constant 112 : index
        %swap3A_496 = tpu.vector_load %swap3A_493[%swap3A_494, %swap3A_495] {strides = array<i32>} : memref<128x128xf32, #tpu.memory_space<vmem>>, vector<1x16xf32>,
        %swap3A_497 = vector.shape_cast %swap3A_496 : vector<1x16xf32> to vector<16xf32>
        %swap3A_498 = vector.shape_cast %mul3A_489 : vector<16xf32> to vector<1x16xf32>
        tpu.vector_store %swap3A_493[%swap3A_494, %swap3A_495], %swap3A_498 {strides = array<i32>} : memref<128x128xf32, #tpu.memory_space<vmem>>, vector<1x16xf32>,
      }
      %scan3A_278 = arith.constant 128 : i32
      %mul3A_279 = arith.constant 128 : i32
      %mul3A_280 = arith.muli %add3A_253, %mul3A_279 : i32
      %add3A_281 = arith.addi %mul3A_2, %mul3A_280 : i32
      %dma_start3A_282 = arith.constant 3 : i32
      %dma_start3A_283 = arith.constant 0 : i32
      %dma_start3A_284 = arith.constant 0 : i32
      %dma_start3A_285 = tpu.memref_slice %arg6[%dma_start3A_282, %dma_start3A_283, %dma_start3A_284] : memref<5x128x128xf32, #tpu.memory_space<vmem>> -> memref<1x128x128xf32, #tpu.memory_space<vmem>>
      %dma_start3A_286 = tpu.memref_squeeze %dma_start3A_285 : memref<1x128x128xf32, #tpu.memory_space<vmem>> -> memref<128x128xf32, #tpu.memory_space<vmem>>
      %dma_start3A_287 = arith.constant 0 : i32
      %dma_start3A_288 = tpu.memref_slice %arg4[%add3A_281, %dma_start3A_287] : memref<819200x128xf32, #tpu.memory_space<hbm>> -> memref<128x128xf32, #tpu.memory_space<hbm>>
      %dma_start3A_289 = arith.constant 0 : i32
      %dma_start3A_290 = tpu.memref_slice %arg4[%add3A_281, %dma_start3A_289] : memref<819200x128xf32, #tpu.memory_space<hbm>> -> memref<128x128xf32, #tpu.memory_space<hbm>>
      %dma_start3A_291 = arith.constant 0 : i32
      %dma_start3A_292 = arith.constant 0 : i32
      %dma_start3A_293 = tpu.memref_slice %arg6[%dma_start3A_282, %dma_start3A_291, %dma_start3A_292] : memref<5x128x128xf32, #tpu.memory_space<vmem>> -> memref<1x128x128xf32, #tpu.memory_space<vmem>>
      %dma_start3A_294 = tpu.memref_squeeze %dma_start3A_293 : memref<1x128x128xf32, #tpu.memory_space<vmem>> -> memref<128x128xf32, #tpu.memory_space<vmem>>
      tpu.enqueue_dma source(%dma_start3A_294 : memref<128x128xf32, #tpu.memory_space<vmem>>) target(%dma_start3A_290 : memref<128x128xf32, #tpu.memory_space<hbm>>) target_semaphore(%arg15 : memref<!tpu.dma_semaphore, #tpu.memory_space<semaphore_mem>>)
      %mul3A_295 = arith.constant 5 : i32
      %mul3A_296 = arith.muli %scan3A_117, %mul3A_295 : i32
      %add3A_297 = arith.constant 4 : i32
      %add3A_298 = arith.addi %mul3A_296, %add3A_297 : i32
      %add3A_299 = arith.constant 3 : i32
      %add3A_300 = arith.addi %add3A_298, %add3A_299 : i32
      %lt3A_301 = arith.constant 200 : i32
      %lt3A_302 = arith.cmpi slt, %add3A_300, %lt3A_301 : i32
      %convert_element_type3A_303 = arith.extui %lt3A_302 : i1 to i32
      %cond3A_304 = arith.constant 0 : i32
      %cond3A_305 = arith.cmpi ne, %convert_element_type3A_303, %cond3A_304 : i32
      scf.if %cond3A_305 {
        %add3A_340 = arith.constant 3 : i32
        %add3A_341 = arith.addi %add3A_298, %add3A_340 : i32
        %ge3A = arith.constant 5 : i32
        %ge3A_342 = arith.cmpi sge, %add3A_341, %ge3A : i32
        %convert_element_type3A_343 = arith.extui %ge3A_342 : i1 to i32
        %cond3A_344 = arith.constant 0 : i32
        %cond3A_345 = arith.cmpi ne, %convert_element_type3A_343, %cond3A_344 : i32
        scf.if %cond3A_345 {
          %add3A_359 = arith.constant 3 : i32
          %add3A_360 = arith.addi %add3A_298, %add3A_359 : i32
          %sub3A = arith.constant 5 : i32
          %sub3A_361 = arith.subi %add3A_360, %sub3A : i32
          %mul3A_362 = arith.constant 128 : i32
          %mul3A_363 = arith.muli %sub3A_361, %mul3A_362 : i32
          %add3A_364 = arith.addi %mul3A_2, %mul3A_363 : i32
          %dma_wait3A_365 = arith.constant 2 : i32
          %dma_wait3A_366 = arith.constant 0 : i32
          %dma_wait3A_367 = arith.constant 0 : i32
          %dma_wait3A_368 = tpu.memref_slice %arg6[%dma_wait3A_365, %dma_wait3A_366, %dma_wait3A_367] : memref<5x128x128xf32, #tpu.memory_space<vmem>> -> memref<1x128x128xf32, #tpu.memory_space<vmem>>
          %dma_wait3A_369 = tpu.memref_squeeze %dma_wait3A_368 : memref<1x128x128xf32, #tpu.memory_space<vmem>> -> memref<128x128xf32, #tpu.memory_space<vmem>>
          %dma_wait3A_370 = arith.constant 0 : i32
          %dma_wait3A_371 = tpu.memref_slice %arg4[%add3A_364, %dma_wait3A_370] : memref<819200x128xf32, #tpu.memory_space<hbm>> -> memref<128x128xf32, #tpu.memory_space<hbm>>
          %dma_wait3A_372 = arith.constant 0 : i32
          %dma_wait3A_373 = tpu.memref_slice %arg4[%add3A_364, %dma_wait3A_372] : memref<819200x128xf32, #tpu.memory_space<hbm>> -> memref<128x128xf32, #tpu.memory_space<hbm>>
          %dma_wait3A_374 = arith.constant 0 : i32
          %dma_wait3A_375 = arith.constant 0 : i32
          %dma_wait3A_376 = tpu.memref_slice %arg6[%dma_wait3A_365, %dma_wait3A_374, %dma_wait3A_375] : memref<5x128x128xf32, #tpu.memory_space<vmem>> -> memref<1x128x128xf32, #tpu.memory_space<vmem>>
          %dma_wait3A_377 = tpu.memref_squeeze %dma_wait3A_376 : memref<1x128x128xf32, #tpu.memory_space<vmem>> -> memref<128x128xf32, #tpu.memory_space<vmem>>
          tpu.wait_dma2 semaphore(%arg14 : memref<!tpu.dma_semaphore, #tpu.memory_space<semaphore_mem>>) src(%dma_wait3A_377 : memref<128x128xf32, #tpu.memory_space<vmem>>) dst(%dma_wait3A_373 : memref<128x128xf32, #tpu.memory_space<hbm>>)
        } else {
        }
        %add3A_346 = arith.constant 3 : i32
        %add3A_347 = arith.addi %add3A_298, %add3A_346 : i32
        %dma_start3A_348 = arith.constant 2 : i32
        %dma_start3A_349 = arith.constant 0 : i32
        %dma_start3A_350 = arith.constant 0 : i32
        %dma_start3A_351 = tpu.memref_slice %arg6[%dma_start3A_348, %dma_start3A_349, %dma_start3A_350] : memref<5x128x128xf32, #tpu.memory_space<vmem>> -> memref<1x128x128xf32, #tpu.memory_space<vmem>>
        %dma_start3A_352 = tpu.memref_squeeze %dma_start3A_351 : memref<1x128x128xf32, #tpu.memory_space<vmem>> -> memref<128x128xf32, #tpu.memory_space<vmem>>
        %dma_start3A_353 = arith.constant 0 : i32
        %dma_start3A_354 = tpu.memref_slice %arg5[%add3A_347, %dma_start3A_353] : memref<200x128xi32, #tpu.memory_space<vmem>> -> memref<1x128xi32, #tpu.memory_space<vmem>>
        %dma_start3A_355 = tpu.memref_squeeze %dma_start3A_354 : memref<1x128xi32, #tpu.memory_space<vmem>> -> memref<128xi32, #tpu.memory_space<vmem>>
        %dma_start3A_356 = arith.constant 0 : i32
        %dma_start3A_357 = arith.constant 0 : i32
        %dma_start3A_358 = tpu.memref_slice %arg3[%dma_start3A_356, %dma_start3A_357] : memref<100000x128xf32, #tpu.memory_space<hbm>> -> memref<100000x128xf32, #tpu.memory_space<hbm>>
        tpu.enqueue_indirect_dma source(%dma_start3A_358 : memref<100000x128xf32, #tpu.memory_space<hbm>>) target(%dma_start3A_352 : memref<128x128xf32, #tpu.memory_space<vmem>>) offsets(%dma_start3A_355 : memref<128xi32, #tpu.memory_space<vmem>>) semaphore(%arg9 : memref<!tpu.dma_semaphore, #tpu.memory_space<semaphore_mem>>)
      } else {
      }
      %dma_wait3A_306 = arith.constant 4 : i32
      %dma_wait3A_307 = arith.constant 0 : i32
      %dma_wait3A_308 = arith.constant 0 : i32
      %dma_wait3A_309 = tpu.memref_slice %arg6[%dma_wait3A_306, %dma_wait3A_307, %dma_wait3A_308] : memref<5x128x128xf32, #tpu.memory_space<vmem>> -> memref<1x128x128xf32, #tpu.memory_space<vmem>>
      %dma_wait3A_310 = tpu.memref_squeeze %dma_wait3A_309 : memref<1x128x128xf32, #tpu.memory_space<vmem>> -> memref<128x128xf32, #tpu.memory_space<vmem>>
      %dma_wait3A_311 = arith.constant 0 : i32
      %dma_wait3A_312 = tpu.memref_slice %arg5[%add3A_298, %dma_wait3A_311] : memref<200x128xi32, #tpu.memory_space<vmem>> -> memref<1x128xi32, #tpu.memory_space<vmem>>
      %dma_wait3A_313 = tpu.memref_squeeze %dma_wait3A_312 : memref<1x128xi32, #tpu.memory_space<vmem>> -> memref<128xi32, #tpu.memory_space<vmem>>
      %dma_wait3A_314 = arith.constant 0 : i32
      %dma_wait3A_315 = arith.constant 0 : i32
      %dma_wait3A_316 = tpu.memref_slice %arg3[%dma_wait3A_314, %dma_wait3A_315] : memref<100000x128xf32, #tpu.memory_space<hbm>> -> memref<100000x128xf32, #tpu.memory_space<hbm>>
      tpu.wait_indirect_dma semaphore(%arg11 : memref<!tpu.dma_semaphore, #tpu.memory_space<semaphore_mem>>) src(%dma_wait3A_316 : memref<100000x128xf32, #tpu.memory_space<hbm>>) dst(%dma_wait3A_310 : memref<128x128xf32, #tpu.memory_space<vmem>>)
      %scan3A_317 = arith.constant 0 : i32
      %scan3A_318 = arith.constant 4 : i32
      %scan3A_319 = arith.constant 0 : i32
      %scan3A_320 = arith.constant 128 : i32
      %scan3A_321 = arith.addi %scan3A_319, %scan3A_320 : i32
      %scan3A_322 = arith.constant 1 : i32
      scf.for %scan3A_340 = %scan3A_319 to %scan3A_321 step %scan3A_322  : i32 {
        %get3A = arith.constant 0 : i32
        %get3A_341 = arith.constant 0 : i32
        %get3A_342 = tpu.memref_slice %arg6[%scan3A_318, %get3A, %get3A_341] : memref<5x128x128xf32, #tpu.memory_space<vmem>> -> memref<1x128x128xf32, #tpu.memory_space<vmem>>
        %get3A_343 = tpu.memref_squeeze %get3A_342 : memref<1x128x128xf32, #tpu.memory_space<vmem>> -> memref<128x128xf32, #tpu.memory_space<vmem>>
        %get3A_344 = arith.index_cast %scan3A_340 : i32 to index
        %get3A_345 = arith.constant 0 : index
        %get3A_346 = tpu.vector_load %get3A_343[%get3A_344, %get3A_345] {strides = array<i32>} : memref<128x128xf32, #tpu.memory_space<vmem>>, vector<1x16xf32>,
        %get3A_347 = vector.shape_cast %get3A_346 : vector<1x16xf32> to vector<16xf32>
        %mul3A_348 = arith.constant 11.3137083 : f32
        %mul3A_349 = vector.broadcast %mul3A_348 : f32 to vector<16xf32>
        %mul3A_350 = arith.mulf %get3A_347, %mul3A_349 : vector<16xf32>
        %swap3A = arith.constant 0 : i32
        %swap3A_351 = arith.constant 0 : i32
        %swap3A_352 = tpu.memref_slice %arg6[%scan3A_318, %swap3A, %swap3A_351] : memref<5x128x128xf32, #tpu.memory_space<vmem>> -> memref<1x128x128xf32, #tpu.memory_space<vmem>>
        %swap3A_353 = tpu.memref_squeeze %swap3A_352 : memref<1x128x128xf32, #tpu.memory_space<vmem>> -> memref<128x128xf32, #tpu.memory_space<vmem>>
        %swap3A_354 = arith.index_cast %scan3A_340 : i32 to index
        %swap3A_355 = arith.constant 0 : index
        %swap3A_356 = tpu.vector_load %swap3A_353[%swap3A_354, %swap3A_355] {strides = array<i32>} : memref<128x128xf32, #tpu.memory_space<vmem>>, vector<1x16xf32>,
        %swap3A_357 = vector.shape_cast %swap3A_356 : vector<1x16xf32> to vector<16xf32>
        %swap3A_358 = vector.shape_cast %mul3A_350 : vector<16xf32> to vector<1x16xf32>
        tpu.vector_store %swap3A_353[%swap3A_354, %swap3A_355], %swap3A_358 {strides = array<i32>} : memref<128x128xf32, #tpu.memory_space<vmem>>, vector<1x16xf32>,
        %get3A_359 = arith.constant 0 : i32
        %get3A_360 = arith.constant 0 : i32
        %get3A_361 = tpu.memref_slice %arg6[%scan3A_318, %get3A_359, %get3A_360] : memref<5x128x128xf32, #tpu.memory_space<vmem>> -> memref<1x128x128xf32, #tpu.memory_space<vmem>>
        %get3A_362 = tpu.memref_squeeze %get3A_361 : memref<1x128x128xf32, #tpu.memory_space<vmem>> -> memref<128x128xf32, #tpu.memory_space<vmem>>
        %get3A_363 = arith.index_cast %scan3A_340 : i32 to index
        %get3A_364 = arith.constant 16 : index
        %get3A_365 = tpu.vector_load %get3A_362[%get3A_363, %get3A_364] {strides = array<i32>} : memref<128x128xf32, #tpu.memory_space<vmem>>, vector<1x16xf32>,
        %get3A_366 = vector.shape_cast %get3A_365 : vector<1x16xf32> to vector<16xf32>
        %mul3A_367 = arith.constant 11.3137083 : f32
        %mul3A_368 = vector.broadcast %mul3A_367 : f32 to vector<16xf32>
        %mul3A_369 = arith.mulf %get3A_366, %mul3A_368 : vector<16xf32>
        %swap3A_370 = arith.constant 0 : i32
        %swap3A_371 = arith.constant 0 : i32
        %swap3A_372 = tpu.memref_slice %arg6[%scan3A_318, %swap3A_370, %swap3A_371] : memref<5x128x128xf32, #tpu.memory_space<vmem>> -> memref<1x128x128xf32, #tpu.memory_space<vmem>>
        %swap3A_373 = tpu.memref_squeeze %swap3A_372 : memref<1x128x128xf32, #tpu.memory_space<vmem>> -> memref<128x128xf32, #tpu.memory_space<vmem>>
        %swap3A_374 = arith.index_cast %scan3A_340 : i32 to index
        %swap3A_375 = arith.constant 16 : index
        %swap3A_376 = tpu.vector_load %swap3A_373[%swap3A_374, %swap3A_375] {strides = array<i32>} : memref<128x128xf32, #tpu.memory_space<vmem>>, vector<1x16xf32>,
        %swap3A_377 = vector.shape_cast %swap3A_376 : vector<1x16xf32> to vector<16xf32>
        %swap3A_378 = vector.shape_cast %mul3A_369 : vector<16xf32> to vector<1x16xf32>
        tpu.vector_store %swap3A_373[%swap3A_374, %swap3A_375], %swap3A_378 {strides = array<i32>} : memref<128x128xf32, #tpu.memory_space<vmem>>, vector<1x16xf32>,
        %get3A_379 = arith.constant 0 : i32
        %get3A_380 = arith.constant 0 : i32
        %get3A_381 = tpu.memref_slice %arg6[%scan3A_318, %get3A_379, %get3A_380] : memref<5x128x128xf32, #tpu.memory_space<vmem>> -> memref<1x128x128xf32, #tpu.memory_space<vmem>>
        %get3A_382 = tpu.memref_squeeze %get3A_381 : memref<1x128x128xf32, #tpu.memory_space<vmem>> -> memref<128x128xf32, #tpu.memory_space<vmem>>
        %get3A_383 = arith.index_cast %scan3A_340 : i32 to index
        %get3A_384 = arith.constant 32 : index
        %get3A_385 = tpu.vector_load %get3A_382[%get3A_383, %get3A_384] {strides = array<i32>} : memref<128x128xf32, #tpu.memory_space<vmem>>, vector<1x16xf32>,
        %get3A_386 = vector.shape_cast %get3A_385 : vector<1x16xf32> to vector<16xf32>
        %mul3A_387 = arith.constant 11.3137083 : f32
        %mul3A_388 = vector.broadcast %mul3A_387 : f32 to vector<16xf32>
        %mul3A_389 = arith.mulf %get3A_386, %mul3A_388 : vector<16xf32>
        %swap3A_390 = arith.constant 0 : i32
        %swap3A_391 = arith.constant 0 : i32
        %swap3A_392 = tpu.memref_slice %arg6[%scan3A_318, %swap3A_390, %swap3A_391] : memref<5x128x128xf32, #tpu.memory_space<vmem>> -> memref<1x128x128xf32, #tpu.memory_space<vmem>>
        %swap3A_393 = tpu.memref_squeeze %swap3A_392 : memref<1x128x128xf32, #tpu.memory_space<vmem>> -> memref<128x128xf32, #tpu.memory_space<vmem>>
        %swap3A_394 = arith.index_cast %scan3A_340 : i32 to index
        %swap3A_395 = arith.constant 32 : index
        %swap3A_396 = tpu.vector_load %swap3A_393[%swap3A_394, %swap3A_395] {strides = array<i32>} : memref<128x128xf32, #tpu.memory_space<vmem>>, vector<1x16xf32>,
        %swap3A_397 = vector.shape_cast %swap3A_396 : vector<1x16xf32> to vector<16xf32>
        %swap3A_398 = vector.shape_cast %mul3A_389 : vector<16xf32> to vector<1x16xf32>
        tpu.vector_store %swap3A_393[%swap3A_394, %swap3A_395], %swap3A_398 {strides = array<i32>} : memref<128x128xf32, #tpu.memory_space<vmem>>, vector<1x16xf32>,
        %get3A_399 = arith.constant 0 : i32
        %get3A_400 = arith.constant 0 : i32
        %get3A_401 = tpu.memref_slice %arg6[%scan3A_318, %get3A_399, %get3A_400] : memref<5x128x128xf32, #tpu.memory_space<vmem>> -> memref<1x128x128xf32, #tpu.memory_space<vmem>>
        %get3A_402 = tpu.memref_squeeze %get3A_401 : memref<1x128x128xf32, #tpu.memory_space<vmem>> -> memref<128x128xf32, #tpu.memory_space<vmem>>
        %get3A_403 = arith.index_cast %scan3A_340 : i32 to index
        %get3A_404 = arith.constant 48 : index
        %get3A_405 = tpu.vector_load %get3A_402[%get3A_403, %get3A_404] {strides = array<i32>} : memref<128x128xf32, #tpu.memory_space<vmem>>, vector<1x16xf32>,
        %get3A_406 = vector.shape_cast %get3A_405 : vector<1x16xf32> to vector<16xf32>
        %mul3A_407 = arith.constant 11.3137083 : f32
        %mul3A_408 = vector.broadcast %mul3A_407 : f32 to vector<16xf32>
        %mul3A_409 = arith.mulf %get3A_406, %mul3A_408 : vector<16xf32>
        %swap3A_410 = arith.constant 0 : i32
        %swap3A_411 = arith.constant 0 : i32
        %swap3A_412 = tpu.memref_slice %arg6[%scan3A_318, %swap3A_410, %swap3A_411] : memref<5x128x128xf32, #tpu.memory_space<vmem>> -> memref<1x128x128xf32, #tpu.memory_space<vmem>>
        %swap3A_413 = tpu.memref_squeeze %swap3A_412 : memref<1x128x128xf32, #tpu.memory_space<vmem>> -> memref<128x128xf32, #tpu.memory_space<vmem>>
        %swap3A_414 = arith.index_cast %scan3A_340 : i32 to index
        %swap3A_415 = arith.constant 48 : index
        %swap3A_416 = tpu.vector_load %swap3A_413[%swap3A_414, %swap3A_415] {strides = array<i32>} : memref<128x128xf32, #tpu.memory_space<vmem>>, vector<1x16xf32>,
        %swap3A_417 = vector.shape_cast %swap3A_416 : vector<1x16xf32> to vector<16xf32>
        %swap3A_418 = vector.shape_cast %mul3A_409 : vector<16xf32> to vector<1x16xf32>
        tpu.vector_store %swap3A_413[%swap3A_414, %swap3A_415], %swap3A_418 {strides = array<i32>} : memref<128x128xf32, #tpu.memory_space<vmem>>, vector<1x16xf32>,
        %get3A_419 = arith.constant 0 : i32
        %get3A_420 = arith.constant 0 : i32
        %get3A_421 = tpu.memref_slice %arg6[%scan3A_318, %get3A_419, %get3A_420] : memref<5x128x128xf32, #tpu.memory_space<vmem>> -> memref<1x128x128xf32, #tpu.memory_space<vmem>>
        %get3A_422 = tpu.memref_squeeze %get3A_421 : memref<1x128x128xf32, #tpu.memory_space<vmem>> -> memref<128x128xf32, #tpu.memory_space<vmem>>
        %get3A_423 = arith.index_cast %scan3A_340 : i32 to index
        %get3A_424 = arith.constant 64 : index
        %get3A_425 = tpu.vector_load %get3A_422[%get3A_423, %get3A_424] {strides = array<i32>} : memref<128x128xf32, #tpu.memory_space<vmem>>, vector<1x16xf32>,
        %get3A_426 = vector.shape_cast %get3A_425 : vector<1x16xf32> to vector<16xf32>
        %mul3A_427 = arith.constant 11.3137083 : f32
        %mul3A_428 = vector.broadcast %mul3A_427 : f32 to vector<16xf32>
        %mul3A_429 = arith.mulf %get3A_426, %mul3A_428 : vector<16xf32>
        %swap3A_430 = arith.constant 0 : i32
        %swap3A_431 = arith.constant 0 : i32
        %swap3A_432 = tpu.memref_slice %arg6[%scan3A_318, %swap3A_430, %swap3A_431] : memref<5x128x128xf32, #tpu.memory_space<vmem>> -> memref<1x128x128xf32, #tpu.memory_space<vmem>>
        %swap3A_433 = tpu.memref_squeeze %swap3A_432 : memref<1x128x128xf32, #tpu.memory_space<vmem>> -> memref<128x128xf32, #tpu.memory_space<vmem>>
        %swap3A_434 = arith.index_cast %scan3A_340 : i32 to index
        %swap3A_435 = arith.constant 64 : index
        %swap3A_436 = tpu.vector_load %swap3A_433[%swap3A_434, %swap3A_435] {strides = array<i32>} : memref<128x128xf32, #tpu.memory_space<vmem>>, vector<1x16xf32>,
        %swap3A_437 = vector.shape_cast %swap3A_436 : vector<1x16xf32> to vector<16xf32>
        %swap3A_438 = vector.shape_cast %mul3A_429 : vector<16xf32> to vector<1x16xf32>
        tpu.vector_store %swap3A_433[%swap3A_434, %swap3A_435], %swap3A_438 {strides = array<i32>} : memref<128x128xf32, #tpu.memory_space<vmem>>, vector<1x16xf32>,
        %get3A_439 = arith.constant 0 : i32
        %get3A_440 = arith.constant 0 : i32
        %get3A_441 = tpu.memref_slice %arg6[%scan3A_318, %get3A_439, %get3A_440] : memref<5x128x128xf32, #tpu.memory_space<vmem>> -> memref<1x128x128xf32, #tpu.memory_space<vmem>>
        %get3A_442 = tpu.memref_squeeze %get3A_441 : memref<1x128x128xf32, #tpu.memory_space<vmem>> -> memref<128x128xf32, #tpu.memory_space<vmem>>
        %get3A_443 = arith.index_cast %scan3A_340 : i32 to index
        %get3A_444 = arith.constant 80 : index
        %get3A_445 = tpu.vector_load %get3A_442[%get3A_443, %get3A_444] {strides = array<i32>} : memref<128x128xf32, #tpu.memory_space<vmem>>, vector<1x16xf32>,
        %get3A_446 = vector.shape_cast %get3A_445 : vector<1x16xf32> to vector<16xf32>
        %mul3A_447 = arith.constant 11.3137083 : f32
        %mul3A_448 = vector.broadcast %mul3A_447 : f32 to vector<16xf32>
        %mul3A_449 = arith.mulf %get3A_446, %mul3A_448 : vector<16xf32>
        %swap3A_450 = arith.constant 0 : i32
        %swap3A_451 = arith.constant 0 : i32
        %swap3A_452 = tpu.memref_slice %arg6[%scan3A_318, %swap3A_450, %swap3A_451] : memref<5x128x128xf32, #tpu.memory_space<vmem>> -> memref<1x128x128xf32, #tpu.memory_space<vmem>>
        %swap3A_453 = tpu.memref_squeeze %swap3A_452 : memref<1x128x128xf32, #tpu.memory_space<vmem>> -> memref<128x128xf32, #tpu.memory_space<vmem>>
        %swap3A_454 = arith.index_cast %scan3A_340 : i32 to index
        %swap3A_455 = arith.constant 80 : index
        %swap3A_456 = tpu.vector_load %swap3A_453[%swap3A_454, %swap3A_455] {strides = array<i32>} : memref<128x128xf32, #tpu.memory_space<vmem>>, vector<1x16xf32>,
        %swap3A_457 = vector.shape_cast %swap3A_456 : vector<1x16xf32> to vector<16xf32>
        %swap3A_458 = vector.shape_cast %mul3A_449 : vector<16xf32> to vector<1x16xf32>
        tpu.vector_store %swap3A_453[%swap3A_454, %swap3A_455], %swap3A_458 {strides = array<i32>} : memref<128x128xf32, #tpu.memory_space<vmem>>, vector<1x16xf32>,
        %get3A_459 = arith.constant 0 : i32
        %get3A_460 = arith.constant 0 : i32
        %get3A_461 = tpu.memref_slice %arg6[%scan3A_318, %get3A_459, %get3A_460] : memref<5x128x128xf32, #tpu.memory_space<vmem>> -> memref<1x128x128xf32, #tpu.memory_space<vmem>>
        %get3A_462 = tpu.memref_squeeze %get3A_461 : memref<1x128x128xf32, #tpu.memory_space<vmem>> -> memref<128x128xf32, #tpu.memory_space<vmem>>
        %get3A_463 = arith.index_cast %scan3A_340 : i32 to index
        %get3A_464 = arith.constant 96 : index
        %get3A_465 = tpu.vector_load %get3A_462[%get3A_463, %get3A_464] {strides = array<i32>} : memref<128x128xf32, #tpu.memory_space<vmem>>, vector<1x16xf32>,
        %get3A_466 = vector.shape_cast %get3A_465 : vector<1x16xf32> to vector<16xf32>
        %mul3A_467 = arith.constant 11.3137083 : f32
        %mul3A_468 = vector.broadcast %mul3A_467 : f32 to vector<16xf32>
        %mul3A_469 = arith.mulf %get3A_466, %mul3A_468 : vector<16xf32>
        %swap3A_470 = arith.constant 0 : i32
        %swap3A_471 = arith.constant 0 : i32
        %swap3A_472 = tpu.memref_slice %arg6[%scan3A_318, %swap3A_470, %swap3A_471] : memref<5x128x128xf32, #tpu.memory_space<vmem>> -> memref<1x128x128xf32, #tpu.memory_space<vmem>>
        %swap3A_473 = tpu.memref_squeeze %swap3A_472 : memref<1x128x128xf32, #tpu.memory_space<vmem>> -> memref<128x128xf32, #tpu.memory_space<vmem>>
        %swap3A_474 = arith.index_cast %scan3A_340 : i32 to index
        %swap3A_475 = arith.constant 96 : index
        %swap3A_476 = tpu.vector_load %swap3A_473[%swap3A_474, %swap3A_475] {strides = array<i32>} : memref<128x128xf32, #tpu.memory_space<vmem>>, vector<1x16xf32>,
        %swap3A_477 = vector.shape_cast %swap3A_476 : vector<1x16xf32> to vector<16xf32>
        %swap3A_478 = vector.shape_cast %mul3A_469 : vector<16xf32> to vector<1x16xf32>
        tpu.vector_store %swap3A_473[%swap3A_474, %swap3A_475], %swap3A_478 {strides = array<i32>} : memref<128x128xf32, #tpu.memory_space<vmem>>, vector<1x16xf32>,
        %get3A_479 = arith.constant 0 : i32
        %get3A_480 = arith.constant 0 : i32
        %get3A_481 = tpu.memref_slice %arg6[%scan3A_318, %get3A_479, %get3A_480] : memref<5x128x128xf32, #tpu.memory_space<vmem>> -> memref<1x128x128xf32, #tpu.memory_space<vmem>>
        %get3A_482 = tpu.memref_squeeze %get3A_481 : memref<1x128x128xf32, #tpu.memory_space<vmem>> -> memref<128x128xf32, #tpu.memory_space<vmem>>
        %get3A_483 = arith.index_cast %scan3A_340 : i32 to index
        %get3A_484 = arith.constant 112 : index
        %get3A_485 = tpu.vector_load %get3A_482[%get3A_483, %get3A_484] {strides = array<i32>} : memref<128x128xf32, #tpu.memory_space<vmem>>, vector<1x16xf32>,
        %get3A_486 = vector.shape_cast %get3A_485 : vector<1x16xf32> to vector<16xf32>
        %mul3A_487 = arith.constant 11.3137083 : f32
        %mul3A_488 = vector.broadcast %mul3A_487 : f32 to vector<16xf32>
        %mul3A_489 = arith.mulf %get3A_486, %mul3A_488 : vector<16xf32>
        %swap3A_490 = arith.constant 0 : i32
        %swap3A_491 = arith.constant 0 : i32
        %swap3A_492 = tpu.memref_slice %arg6[%scan3A_318, %swap3A_490, %swap3A_491] : memref<5x128x128xf32, #tpu.memory_space<vmem>> -> memref<1x128x128xf32, #tpu.memory_space<vmem>>
        %swap3A_493 = tpu.memref_squeeze %swap3A_492 : memref<1x128x128xf32, #tpu.memory_space<vmem>> -> memref<128x128xf32, #tpu.memory_space<vmem>>
        %swap3A_494 = arith.index_cast %scan3A_340 : i32 to index
        %swap3A_495 = arith.constant 112 : index
        %swap3A_496 = tpu.vector_load %swap3A_493[%swap3A_494, %swap3A_495] {strides = array<i32>} : memref<128x128xf32, #tpu.memory_space<vmem>>, vector<1x16xf32>,
        %swap3A_497 = vector.shape_cast %swap3A_496 : vector<1x16xf32> to vector<16xf32>
        %swap3A_498 = vector.shape_cast %mul3A_489 : vector<16xf32> to vector<1x16xf32>
        tpu.vector_store %swap3A_493[%swap3A_494, %swap3A_495], %swap3A_498 {strides = array<i32>} : memref<128x128xf32, #tpu.memory_space<vmem>>, vector<1x16xf32>,
      }
      %scan3A_323 = arith.constant 128 : i32
      %mul3A_324 = arith.constant 128 : i32
      %mul3A_325 = arith.muli %add3A_298, %mul3A_324 : i32
      %add3A_326 = arith.addi %mul3A_2, %mul3A_325 : i32
      %dma_start3A_327 = arith.constant 4 : i32
      %dma_start3A_328 = arith.constant 0 : i32
      %dma_start3A_329 = arith.constant 0 : i32
      %dma_start3A_330 = tpu.memref_slice %arg6[%dma_start3A_327, %dma_start3A_328, %dma_start3A_329] : memref<5x128x128xf32, #tpu.memory_space<vmem>> -> memref<1x128x128xf32, #tpu.memory_space<vmem>>
      %dma_start3A_331 = tpu.memref_squeeze %dma_start3A_330 : memref<1x128x128xf32, #tpu.memory_space<vmem>> -> memref<128x128xf32, #tpu.memory_space<vmem>>
      %dma_start3A_332 = arith.constant 0 : i32
      %dma_start3A_333 = tpu.memref_slice %arg4[%add3A_326, %dma_start3A_332] : memref<819200x128xf32, #tpu.memory_space<hbm>> -> memref<128x128xf32, #tpu.memory_space<hbm>>
      %dma_start3A_334 = arith.constant 0 : i32
      %dma_start3A_335 = tpu.memref_slice %arg4[%add3A_326, %dma_start3A_334] : memref<819200x128xf32, #tpu.memory_space<hbm>> -> memref<128x128xf32, #tpu.memory_space<hbm>>
      %dma_start3A_336 = arith.constant 0 : i32
      %dma_start3A_337 = arith.constant 0 : i32
      %dma_start3A_338 = tpu.memref_slice %arg6[%dma_start3A_327, %dma_start3A_336, %dma_start3A_337] : memref<5x128x128xf32, #tpu.memory_space<vmem>> -> memref<1x128x128xf32, #tpu.memory_space<vmem>>
      %dma_start3A_339 = tpu.memref_squeeze %dma_start3A_338 : memref<1x128x128xf32, #tpu.memory_space<vmem>> -> memref<128x128xf32, #tpu.memory_space<vmem>>
      tpu.enqueue_dma source(%dma_start3A_339 : memref<128x128xf32, #tpu.memory_space<vmem>>) target(%dma_start3A_335 : memref<128x128xf32, #tpu.memory_space<hbm>>) target_semaphore(%arg16 : memref<!tpu.dma_semaphore, #tpu.memory_space<semaphore_mem>>)
    }
    %scan3A_42 = arith.constant 40 : i32
    %add3A_43 = arith.constant 24960 : i32
    %add3A_44 = arith.addi %mul3A_2, %add3A_43 : i32
    %dma_wait3A = arith.constant 0 : i32
    %dma_wait3A_45 = arith.constant 0 : i32
    %dma_wait3A_46 = arith.constant 0 : i32
    %dma_wait3A_47 = tpu.memref_slice %arg6[%dma_wait3A, %dma_wait3A_45, %dma_wait3A_46] : memref<5x128x128xf32, #tpu.memory_space<vmem>> -> memref<1x128x128xf32, #tpu.memory_space<vmem>>
    %dma_wait3A_48 = tpu.memref_squeeze %dma_wait3A_47 : memref<1x128x128xf32, #tpu.memory_space<vmem>> -> memref<128x128xf32, #tpu.memory_space<vmem>>
    %dma_wait3A_49 = arith.constant 0 : i32
    %dma_wait3A_50 = tpu.memref_slice %arg4[%add3A_44, %dma_wait3A_49] : memref<819200x128xf32, #tpu.memory_space<hbm>> -> memref<128x128xf32, #tpu.memory_space<hbm>>
    %dma_wait3A_51 = arith.constant 0 : i32
    %dma_wait3A_52 = tpu.memref_slice %arg4[%add3A_44, %dma_wait3A_51] : memref<819200x128xf32, #tpu.memory_space<hbm>> -> memref<128x128xf32, #tpu.memory_space<hbm>>
    %dma_wait3A_53 = arith.constant 0 : i32
    %dma_wait3A_54 = arith.constant 0 : i32
    %dma_wait3A_55 = tpu.memref_slice %arg6[%dma_wait3A, %dma_wait3A_53, %dma_wait3A_54] : memref<5x128x128xf32, #tpu.memory_space<vmem>> -> memref<1x128x128xf32, #tpu.memory_space<vmem>>
    %dma_wait3A_56 = tpu.memref_squeeze %dma_wait3A_55 : memref<1x128x128xf32, #tpu.memory_space<vmem>> -> memref<128x128xf32, #tpu.memory_space<vmem>>
    tpu.wait_dma2 semaphore(%arg12 : memref<!tpu.dma_semaphore, #tpu.memory_space<semaphore_mem>>) src(%dma_wait3A_56 : memref<128x128xf32, #tpu.memory_space<vmem>>) dst(%dma_wait3A_52 : memref<128x128xf32, #tpu.memory_space<hbm>>)
    %add3A_57 = arith.constant 25088 : i32
    %add3A_58 = arith.addi %mul3A_2, %add3A_57 : i32
    %dma_wait3A_59 = arith.constant 1 : i32
    %dma_wait3A_60 = arith.constant 0 : i32
    %dma_wait3A_61 = arith.constant 0 : i32
    %dma_wait3A_62 = tpu.memref_slice %arg6[%dma_wait3A_59, %dma_wait3A_60, %dma_wait3A_61] : memref<5x128x128xf32, #tpu.memory_space<vmem>> -> memref<1x128x128xf32, #tpu.memory_space<vmem>>
    %dma_wait3A_63 = tpu.memref_squeeze %dma_wait3A_62 : memref<1x128x128xf32, #tpu.memory_space<vmem>> -> memref<128x128xf32, #tpu.memory_space<vmem>>
    %dma_wait3A_64 = arith.constant 0 : i32
    %dma_wait3A_65 = tpu.memref_slice %arg4[%add3A_58, %dma_wait3A_64] : memref<819200x128xf32, #tpu.memory_space<hbm>> -> memref<128x128xf32, #tpu.memory_space<hbm>>
    %dma_wait3A_66 = arith.constant 0 : i32
    %dma_wait3A_67 = tpu.memref_slice %arg4[%add3A_58, %dma_wait3A_66] : memref<819200x128xf32, #tpu.memory_space<hbm>> -> memref<128x128xf32, #tpu.memory_space<hbm>>
    %dma_wait3A_68 = arith.constant 0 : i32
    %dma_wait3A_69 = arith.constant 0 : i32
    %dma_wait3A_70 = tpu.memref_slice %arg6[%dma_wait3A_59, %dma_wait3A_68, %dma_wait3A_69] : memref<5x128x128xf32, #tpu.memory_space<vmem>> -> memref<1x128x128xf32, #tpu.memory_space<vmem>>
    %dma_wait3A_71 = tpu.memref_squeeze %dma_wait3A_70 : memref<1x128x128xf32, #tpu.memory_space<vmem>> -> memref<128x128xf32, #tpu.memory_space<vmem>>
    tpu.wait_dma2 semaphore(%arg13 : memref<!tpu.dma_semaphore, #tpu.memory_space<semaphore_mem>>) src(%dma_wait3A_71 : memref<128x128xf32, #tpu.memory_space<vmem>>) dst(%dma_wait3A_67 : memref<128x128xf32, #tpu.memory_space<hbm>>)
    %add3A_72 = arith.constant 25216 : i32
    %add3A_73 = arith.addi %mul3A_2, %add3A_72 : i32
    %dma_wait3A_74 = arith.constant 2 : i32
    %dma_wait3A_75 = arith.constant 0 : i32
    %dma_wait3A_76 = arith.constant 0 : i32
    %dma_wait3A_77 = tpu.memref_slice %arg6[%dma_wait3A_74, %dma_wait3A_75, %dma_wait3A_76] : memref<5x128x128xf32, #tpu.memory_space<vmem>> -> memref<1x128x128xf32, #tpu.memory_space<vmem>>
    %dma_wait3A_78 = tpu.memref_squeeze %dma_wait3A_77 : memref<1x128x128xf32, #tpu.memory_space<vmem>> -> memref<128x128xf32, #tpu.memory_space<vmem>>
    %dma_wait3A_79 = arith.constant 0 : i32
    %dma_wait3A_80 = tpu.memref_slice %arg4[%add3A_73, %dma_wait3A_79] : memref<819200x128xf32, #tpu.memory_space<hbm>> -> memref<128x128xf32, #tpu.memory_space<hbm>>
    %dma_wait3A_81 = arith.constant 0 : i32
    %dma_wait3A_82 = tpu.memref_slice %arg4[%add3A_73, %dma_wait3A_81] : memref<819200x128xf32, #tpu.memory_space<hbm>> -> memref<128x128xf32, #tpu.memory_space<hbm>>
    %dma_wait3A_83 = arith.constant 0 : i32
    %dma_wait3A_84 = arith.constant 0 : i32
    %dma_wait3A_85 = tpu.memref_slice %arg6[%dma_wait3A_74, %dma_wait3A_83, %dma_wait3A_84] : memref<5x128x128xf32, #tpu.memory_space<vmem>> -> memref<1x128x128xf32, #tpu.memory_space<vmem>>
    %dma_wait3A_86 = tpu.memref_squeeze %dma_wait3A_85 : memref<1x128x128xf32, #tpu.memory_space<vmem>> -> memref<128x128xf32, #tpu.memory_space<vmem>>
    tpu.wait_dma2 semaphore(%arg14 : memref<!tpu.dma_semaphore, #tpu.memory_space<semaphore_mem>>) src(%dma_wait3A_86 : memref<128x128xf32, #tpu.memory_space<vmem>>) dst(%dma_wait3A_82 : memref<128x128xf32, #tpu.memory_space<hbm>>)
    %add3A_87 = arith.constant 25344 : i32
    %add3A_88 = arith.addi %mul3A_2, %add3A_87 : i32
    %dma_wait3A_89 = arith.constant 3 : i32
    %dma_wait3A_90 = arith.constant 0 : i32
    %dma_wait3A_91 = arith.constant 0 : i32
    %dma_wait3A_92 = tpu.memref_slice %arg6[%dma_wait3A_89, %dma_wait3A_90, %dma_wait3A_91] : memref<5x128x128xf32, #tpu.memory_space<vmem>> -> memref<1x128x128xf32, #tpu.memory_space<vmem>>
    %dma_wait3A_93 = tpu.memref_squeeze %dma_wait3A_92 : memref<1x128x128xf32, #tpu.memory_space<vmem>> -> memref<128x128xf32, #tpu.memory_space<vmem>>
    %dma_wait3A_94 = arith.constant 0 : i32
    %dma_wait3A_95 = tpu.memref_slice %arg4[%add3A_88, %dma_wait3A_94] : memref<819200x128xf32, #tpu.memory_space<hbm>> -> memref<128x128xf32, #tpu.memory_space<hbm>>
    %dma_wait3A_96 = arith.constant 0 : i32
    %dma_wait3A_97 = tpu.memref_slice %arg4[%add3A_88, %dma_wait3A_96] : memref<819200x128xf32, #tpu.memory_space<hbm>> -> memref<128x128xf32, #tpu.memory_space<hbm>>
    %dma_wait3A_98 = arith.constant 0 : i32
    %dma_wait3A_99 = arith.constant 0 : i32
    %dma_wait3A_100 = tpu.memref_slice %arg6[%dma_wait3A_89, %dma_wait3A_98, %dma_wait3A_99] : memref<5x128x128xf32, #tpu.memory_space<vmem>> -> memref<1x128x128xf32, #tpu.memory_space<vmem>>
    %dma_wait3A_101 = tpu.memref_squeeze %dma_wait3A_100 : memref<1x128x128xf32, #tpu.memory_space<vmem>> -> memref<128x128xf32, #tpu.memory_space<vmem>>
    tpu.wait_dma2 semaphore(%arg15 : memref<!tpu.dma_semaphore, #tpu.memory_space<semaphore_mem>>) src(%dma_wait3A_101 : memref<128x128xf32, #tpu.memory_space<vmem>>) dst(%dma_wait3A_97 : memref<128x128xf32, #tpu.memory_space<hbm>>)
    %add3A_102 = arith.constant 25472 : i32
    %add3A_103 = arith.addi %mul3A_2, %add3A_102 : i32
    %dma_wait3A_104 = arith.constant 4 : i32
    %dma_wait3A_105 = arith.constant 0 : i32
    %dma_wait3A_106 = arith.constant 0 : i32
    %dma_wait3A_107 = tpu.memref_slice %arg6[%dma_wait3A_104, %dma_wait3A_105, %dma_wait3A_106] : memref<5x128x128xf32, #tpu.memory_space<vmem>> -> memref<1x128x128xf32, #tpu.memory_space<vmem>>
    %dma_wait3A_108 = tpu.memref_squeeze %dma_wait3A_107 : memref<1x128x128xf32, #tpu.memory_space<vmem>> -> memref<128x128xf32, #tpu.memory_space<vmem>>
    %dma_wait3A_109 = arith.constant 0 : i32
    %dma_wait3A_110 = tpu.memref_slice %arg4[%add3A_103, %dma_wait3A_109] : memref<819200x128xf32, #tpu.memory_space<hbm>> -> memref<128x128xf32, #tpu.memory_space<hbm>>
    %dma_wait3A_111 = arith.constant 0 : i32
    %dma_wait3A_112 = tpu.memref_slice %arg4[%add3A_103, %dma_wait3A_111] : memref<819200x128xf32, #tpu.memory_space<hbm>> -> memref<128x128xf32, #tpu.memory_space<hbm>>
    %dma_wait3A_113 = arith.constant 0 : i32
    %dma_wait3A_114 = arith.constant 0 : i32
    %dma_wait3A_115 = tpu.memref_slice %arg6[%dma_wait3A_104, %dma_wait3A_113, %dma_wait3A_114] : memref<5x128x128xf32, #tpu.memory_space<vmem>> -> memref<1x128x128xf32, #tpu.memory_space<vmem>>
    %dma_wait3A_116 = tpu.memref_squeeze %dma_wait3A_115 : memref<1x128x128xf32, #tpu.memory_space<vmem>> -> memref<128x128xf32, #tpu.memory_space<vmem>>
    tpu.wait_dma2 semaphore(%arg16 : memref<!tpu.dma_semaphore, #tpu.memory_space<semaphore_mem>>) src(%dma_wait3A_116 : memref<128x128xf32, #tpu.memory_space<vmem>>) dst(%dma_wait3A_112 : memref<128x128xf32, #tpu.memory_space<hbm>>)
    return
  }
}

</mosaic_0001>

<sc_bundles>
// kernel: kernel.3.cloned.1.call-start
scs
__scs_entry_jumppad:
0x0: {  	(pc) =	sbr.rel $0x88, $3  }
0x1: {  	(tag) =	ssettag $0x0;
	lr =	simm.s32 $0x1  }
0x2: {  	[smem:$0x3F9F] =	sst lr;
	_ =	strace $0xD0000000  }
0x3: {  	_ = 	snop  }
0x4: {  	_ = 	snop  }
0x5: {  	_ = 	snop  }
0x6: {  	_ = 	snop  }
0x7: {  	_ = 	snop  }
__scs_overlays_trampoline_lowered:
0x8: {  	[smem:$0x3FAE] =	sst s0  }
0x9: {  	[smem:$0x3FAF] =	sst s1  }
0xa: {  	[smem:$0x3FB0] =	sst s2  }
0xb: {  	[smem:$0x3FB1] =	sst s3  }
0xc: {  	[smem:$0x3FB2] =	sst s4  }
0xd: {  	[smem:$0x3FB3] =	sst s5  }
0xe: {  	[smem:$0x3FB4] =	sst s6  }
0xf: {  	[smem:$0x3FB5] =	sst s7  }
0x10: {  	[smem:$0x3FB6] =	sst s8  }
0x11: {  	[smem:$0x3FB7] =	sst s9;
	s0 =	simm.s32 @!p0 $0x0  }
0x12: {  	s1 =	sld [smem:$0x3F9D];
	s0 =	simm.s32 @p0 $0x1  }
0x13: {  	[smem:$0x3FB8] =	sst s0;
	s0 =	simm.s32 @!p1 $0x0  }
0x14: {  	s2 =	sld [smem:$0x3F9C];
	s0 =	simm.s32 @p1 $0x1  }
0x15: {  	[smem:$0x3FB9] =	sst s0;
	s0 =	simm.s32 @!p2 $0x0  }
0x16: {  	s3 =	sld [smem:$0x3FDB];
	s0 =	simm.s32 @p2 $0x1  }
0x17: {  	s4 =	simm.s32 $0x1BF5;
	[smem:$0x3FBB] =	sst s0  }
0x18: {  	s0 =	sld [smem:$0x3F9E];
	_ =	swait.ge [sflag:s4], $0x0  }
0x19: {  	s7 =	sld [smem:$0x3F9F]  }
0x1a: {  	s8 =	sadd.s32 $0xFFFFE003, lr  }
0x1b: {  	s9 =	sadd.s32 $0xFFFFFEF7, lr;
	s5 =	simm.s32 $0xFFFFFFFF;
	p2 =	slt.u32 s8, $0xFFFFF086  }
0x1c: {  	p1 =	slt.u32 s9, $0xF7A;
	s5 =	simm.s32 @!p2 $0x0  }
0x1d: {  	s5 =	simm.s32 @p1 $0x1;
	p0 =	seq.s32 s7, s2  }
0x1e: {  	s7 =	smul.u32 @!p0 $0xF7A, s2;
	p2 =	seq.s32 @!p0 s5, $0x0  }
0x1f: {  	s9 =	smul.u32 $0xF7A, s1;
	s8 =	simm.s32 @!p0 $0x1BF5;
	p2 =	por !p2, p0  }
0x20: {  	[sflag:s8] =	ssyncset.s32 @!p0 $0xFFFFF086;
	s6 =	sadd.s32 @!p0 s3, s7;
	s7 =	simm.s32 @!p0 $0x108  }
0x21: {  	s3 =	sadd.s32 s3, s9;
	s6 =	sadd.s32 @!p0 $0x88, s6;
	s7 =	simm.s32 @p2 $0x1082  }
0x22: {  	[simem:s7], [sflag:s8] =	dma.local @!p0 [hbm:s6], $0xF7A  }
0x23: {  	s9 =	sor.u32 $0xD0000000, s2;
	s6 =	simm.s32 $0x108;
	_ =	swait.ge @!p0 [sflag:s8], $0x0  }
0x24: {  	s3 =	sadd.s32 $0x88, s3;
	s6 =	simm.s32 @!p1 $0x1082;
	[sflag:s4] =	ssyncset.s32 $0xFFFFF086  }
0x25: {  	[simem:s6], [sflag:s4] =	dma.local [hbm:s3], $0xF7A  }
0x26: {  	[smem:$0x3F9F] =	sst s1;
	(tag) =	ssettag s2;
	_ =	strace s9  }
0x27: {  	s1 =	sld [smem:$0x3FAF]  }
0x28: {  	s2 =	sld [smem:$0x3FB0]  }
0x29: {  	s4 =	sld [smem:$0x3FB2]  }
0x2a: {  	p0 =	seq.s32 s5, $0x0;
	s5 =	sld [smem:$0x3FB3]  }
0x2b: {  	s6 =	sld [smem:$0x3FB4]  }
0x2c: {  	s7 =	sld [smem:$0x3FB5]  }
0x2d: {  	s3 =	simm.s32 $0x108;
	s8 =	sld [smem:$0x3FB6]  }
0x2e: {  	s3 =	simm.s32 @!p0 $0x1082;
	s9 =	sld [smem:$0x3FB7]  }
0x2f: {  	lr =	sadd.s32 s0, s3;
	s0 =	sld [smem:$0x3FAE]  }
0x30: {  	s3 =	sld [smem:$0x3FB1]  }
0x31: {  	[smem:$0x3FBA] =	sst s10  }
0x32: {  	s10 =	sld [smem:$0x3FB8];
	_ =	sdelay $0x3  }
0x33: {  	p0 =	seq.s32 s10, $0x1;
	s10 =	sld [smem:$0x3FBA];
	_ =	sdelay $0x3  }
0x34: {  	[smem:$0x3FBA] =	sst s10  }
0x35: {  	s10 =	sld [smem:$0x3FB9];
	_ =	sdelay $0x3  }
0x36: {  	p1 =	seq.s32 s10, $0x1;
	s10 =	sld [smem:$0x3FBA];
	_ =	sdelay $0x3  }
0x37: {  	[smem:$0x3FBA] =	sst s10  }
0x38: {  	s10 =	sld [smem:$0x3FBB]  }
0x39: {  	_ = 	snop;
	(pc) =	sbr.ind lr, $3  }
0x3a: {  	_ = 	snop  }
0x3b: {  	_ = 	snop  }
0x3c: {  	p2 =	seq.s32 s10, $0x1;
	s10 =	sld [smem:$0x3FBA]  }
0x3d: {  	_ =	shalt  }
0x3e: {  	_ =	shalt  }
0x3f: {  	_ =	shalt  }
0x40: {  	_ =	shalt  }
0x41: {  	_ =	shalt  }
0x42: {  	_ =	shalt  }
0x43: {  	_ =	shalt  }
0x44: {  	_ =	shalt  }
0x45: {  	_ =	shalt  }
0x46: {  	_ =	shalt  }
0x47: {  	_ =	shalt  }
0x48: {  	_ =	shalt  }
0x49: {  	_ =	shalt  }
0x4a: {  	_ =	shalt  }
0x4b: {  	_ =	shalt  }
0x4c: {  	_ =	shalt  }
0x4d: {  	_ =	shalt  }
0x4e: {  	_ =	shalt  }
0x4f: {  	_ =	shalt  }
0x50: {  	_ =	shalt  }
0x51: {  	_ =	shalt  }
0x52: {  	_ =	shalt  }
0x53: {  	_ =	shalt  }
0x54: {  	_ =	shalt  }
0x55: {  	_ =	shalt  }
0x56: {  	_ =	shalt  }
0x57: {  	_ =	shalt  }
0x58: {  	_ =	shalt  }
0x59: {  	_ =	shalt  }
0x5a: {  	_ =	shalt  }
0x5b: {  	_ =	shalt  }
0x5c: {  	_ =	shalt  }
0x5d: {  	_ =	shalt  }
0x5e: {  	_ =	shalt  }
0x5f: {  	_ =	shalt  }
0x60: {  	_ =	shalt  }
0x61: {  	_ =	shalt  }
0x62: {  	_ =	shalt  }
0x63: {  	_ =	shalt  }
0x64: {  	_ =	shalt  }
0x65: {  	_ =	shalt  }
0x66: {  	_ =	shalt  }
0x67: {  	_ =	shalt  }
0x68: {  	_ =	shalt  }
0x69: {  	_ =	shalt  }
0x6a: {  	_ =	shalt  }
0x6b: {  	_ =	shalt  }
0x6c: {  	_ =	shalt  }
0x6d: {  	_ =	shalt  }
0x6e: {  	_ =	shalt  }
0x6f: {  	_ =	shalt  }
0x70: {  	_ =	shalt  }
0x71: {  	_ =	shalt  }
0x72: {  	_ =	shalt  }
0x73: {  	_ =	shalt  }
0x74: {  	_ =	shalt  }
0x75: {  	_ =	shalt  }
0x76: {  	_ =	shalt  }
0x77: {  	_ =	shalt  }
0x78: {  	_ =	shalt  }
0x79: {  	_ =	shalt  }
0x7a: {  	_ =	shalt  }
0x7b: {  	_ =	shalt  }
0x7c: {  	_ =	shalt  }
0x7d: {  	_ =	shalt  }
0x7e: {  	_ =	shalt  }
0x7f: {  	_ =	shalt  }
0x80: {  	_ =	shalt  }
0x81: {  	_ =	shalt  }
0x82: {  	_ =	shalt  }
0x83: {  	_ =	shalt  }
0x84: {  	_ =	shalt  }
0x85: {  	_ =	shalt  }
0x86: {  	_ =	shalt  }
0x87: {  	_ =	shalt  }
.Lfunc_end0:
.L_simem_size_0:
called_computation_lowered:
.L_overlay_start_0:
0x88: {  	s2 =	sld [smem:$0x3FD9]  }
0x89: {  	s3 =	sld [smem:$0x3FFE];
	_ =	sdelay $0x1  }
0x8a: {  	s1 =	srdreg.scid  }
0x8b: {  	s0 =	sand.u32 $0x1, s1  }
0x8c: {  	s17 =	sshll.u32 s0, $0xA;
	s2 =	sadd.s32 s3, s2  }
0x8d: {  	s2 =	sadd.s32 s2, s17  }
0x8e: {  	[smem:$0x3FC6] =	sst s2  }
0x8f: {  	_ = 	snop  }
0x90: {  	s2 =	sld [smem:$0x3FC8]  }
0x91: {  	s18 =	sld [smem:$0x3FD0];
	(tm) =	ssettm $0x1  }
0x92: {  	s4 =	sld [smem:$0x3FFB];
	_ =	sdelay $0x3  }
0x93: {  	_ =	strace s4  }
0x94: {  	s4 =	sld [smem:$0x3FFC];
	_ =	sdelay $0x3  }
0x95: {  	_ =	strace s4  }
0x96: {  	s4 =	sld [smem:$0x3FFD];
	_ =	sdelay $0x3  }
0x97: {  	_ =	strace s4  }
0x98: {  	_ =	strace $0x8FFFFFFF  }
0x99: {  	s19 =	sld [smem:$0x3FDB];
	_ =	sdelay $0x1  }
0x9a: {  	s5 =	simm.s32 $_scs_section_size  }
0x9b: {  	s6 =	simm.s32 $_size__tile_overlayer_lowered;
	s7 =	simm.s32 $_tile_overlayer_lowered  }
0x9c: {  	s22 =	simm.s32 $0x1BFF;
	s21 =	sshll.u32 s7, $0x1;
	s4 =	sadd.s32 s5, s19  }
0x9d: {  	s8 =	simm.s32 $0x0;
	s20 =	sshll.u32 s6, $0x1;
	s6 =	sadd.s32 s21, s4  }
0x9e: {  	[timem:s8], [sflag:s22] =	dma.local [hbm:s6], s20  }
0x9f: {  	_ =	swait.ge [sflag:s22], s20  }
0xa0: {  	s5 =	ssub.s32 $0x0, s20;
	[sflag:s22] =	ssyncset.done $0x0  }
0xa1: {  	[sflag:s22] =	ssyncadd.s32 s5;
	_ =	sdelay $0x1  }
0xa2: {  	s23 =	simm.s32 $0x1B8B  }
0xa3: {  	_ =	swait.ge [sflag:s23], $0x1  }
0xa4: {  	[sflag:s23] =	ssyncset.done $0x0  }
0xa5: {  	s25 =	simm.s32 $0x1B8E;
	s24 =	sld [smem:$0x3FFE];
	[sflag:s23] =	ssyncadd.s32 $0xFFFFFFFF  }
0xa6: {  	s26 =	simm.s32 $execute0_lowered;
	[smem:$0x3FD2] =	sst s25  }
0xa7: {  	s6 =	sshll.u32 s26, $0x1;
	_ =	strace $0x80000046;
	[dreg:$0x1] =	wrdreg $0xFFFFFFFF  }
0xa8: {  	s28 =	simm.s32 $_size_execute0_lowered;
	s4 =	sadd.s32 s4, s6;
	[dreg:$0x0] =	wrdreg $0x0  }
0xa9: {  	s6 =	sshll.u32 s28, $0x1;
	[dreg:$0x2] =	wrdreg s4  }
0xaa: {  	[dreg:$0x3] =	wrdreg s6  }
0xab: {  	[dreg:$0x4] =	wrdreg $0xC0  }
0xac: {  	_ =	task [dreg:s8], $0x5FFFF  }
0xad: {  	[dreg:$0x1] =	wrdreg $0xFFFFFFFF  }
0xae: {  	[dreg:$0x0] =	wrdreg $0x60  }
0xaf: {  	[dreg:$0x2] =	wrdreg s24  }
0xb0: {  	[dreg:$0x3] =	wrdreg s2  }
0xb1: {  	[dreg:$0x4] =	wrdreg s18  }
0xb2: {  	[dreg:$0x5] =	wrdreg $0x9  }
0xb3: {  	_ =	task.clear_ibuf [dreg:s8], $0x6FFFF;
	_ =	strace $0x90000046  }
0xb4: {  	s29 =	simm.s32 $0x9;
	_ =	strace $0x80000048  }
0xb5: {  	_ =	swait.ge [sflag:s29], $0x1  }
0xb6: {  	[sflag:s29] =	ssyncadd.s32 $0xFFFFFFFF  }
0xb7: {  	_ =	strace $0x90000048  }
0xb8: {  	_ =	sfence  }
0xb9: {  	s30 =	sld [smem:$0x0];
	_ =	sdelay $0x2  }
0xba: {  	s31 =	sshll.u32 s1, $0xD;
	s1 =	sshrl.u32 s1, $0x2  }
0xbb: {  	s3 =	sand.u32 $0x4000, s31;
	s1 =	sadd.s32 s1, s30  }
0xbc: {  	s0 =	sor.u32 s3, s0;
	s1 =	sshll.u32 s1, $0x11  }
0xbd: {  	s0 =	sor.u32 s1, s0  }
0xbe: {  	s0 =	sadd.s32 $0x8F2B, s0  }
0xbf: {  	[sflag:s0] =	ssyncadd.remote.s32 $0x1  }
0xc0: {  	_ =	sfence.sel $0xFFFF  }
0xc1: {  	[dreg:$0x0] =	wrdreg $0xFFFFFFFF;
	(pc) =	sbr.abs _section_cstart, $3  }
0xc2: {  	[dreg:$0x1] =	wrdreg $0xFFFFFFFF  }
0xc3: {  	_ =	task.clear_ibuf [dreg:s8], $0x2FFFF;
	_ =	strace $0x9FFFFFFF  }
0xc4: {  	(tm) =	ssettm $0x7FFFFFFF  }
0xc5: {  	_ =	shalt  }
tec
execute0_lowered:
.L_overlay_start_1:
0x0: {  	(tag) =	ssettag $0x1  }
0x1: {  	s0 =	srdreg.scid  }
0x2: {  	s2 =	stileid.u32;
	s1 =	rddreg [dreg:$0x0];
	s5 =	simm.s32 $0x0  }
0x3: {  	s12 =	simm.s32 $0x80;
	s13 =	simm.s32 $0x6400;
	s14 =	simm.s32 $0xA400  }
0x4: {  	s16 =	simm.s32 $0xE400;
	s17 =	simm.s32 $0x12400;
	s18 =	simm.s32 $0x1  }
0x5: {  	s19 =	simm.s32 $0x16400;
	s20 =	simm.s32 $0x2;
	s21 =	simm.s32 $0x3  }
0x6: {  	s22 =	simm.s32 $0x4;
	s23 =	simm.s32 $0x5;
	s25 =	simm.s32 $0x7  }
0x7: {  	s26 =	simm.s32 $0x8;
	s0 =	sand.u32 $0x1, s0;
	s3 =	sshll.u32 s2, $0x1  }
0x8: {  	s28 =	simm.s32 $0x9;
	s29 =	simm.s32 $0xA;
	s6 =	sor.u32 s0, s3  }
0x9: {  	s2 =	rddreg [dreg:$0x1];
	s0 =	ssub.s32 $0x2, s0;
	s4 =	smul.u32 $0x6400, s6  }
0xa: {  	s30 =	simm.s32 $0x0;
	[smem:$0x7FF] =	sst s5;
	s8 =	sshrl.u32 s0, $0x1  }
0xb: {  	s3 =	rddreg [dreg:$0x2];
	s0 =	ssub.s32 s0, s8;
	s7 =	sshrl.u32 s4, $0x3  }
0xc: {  	_ =	strace $0x80000047;
	s0 =	smax.u32 s0, $0x1;
	s1 =	sadd.s32 s7, s1  }
0xd: {  	s9 =	smul.u32 $0x320000, s6;
	[dreg:$0x5] =	wrdreg s0;
	s1 =	sadd.s32 $0x400, s1  }
0xe: {  	s8 =	sor.u32 $0x100, s4;
	s7 =	sor.u32 $0x80, s4;
	[dreg:$0x4] =	wrdreg s1  }
.LBB2_1:
0xf: {  	s0 =	rddreg [dreg:$0x4];
	s15 =	simm.s32 $0xB  }
0x10: {  	[tilespmem:s5], [sflag:$0xB] =	stream.linear.gather [hbm4b:s0+s5], $0x6400, $0x38;
	[tilespmem:$0x1A400] =	vst v63  }
0x11: {  	_ =	swait.ge [sflag:s15], $0x6400  }
0x12: {  	[sflag:s15] =	ssyncset.done $0x0  }
0x13: {  	[sflag:s15] =	ssyncadd.s32 $0xFFFF9C00  }
0x14: {  	[tilespmem:s13], [sflag:$0x1] =	stream.indirect.gather [hbm4b:s2+s12], $0x80, s5, s12, $0xb8;
	[tilespmem:$0x1A400] =	vst v63  }
0x15: {  	_ = 	snop  }
0x16: {  	[tilespmem:s14], [sflag:$0x2] =	stream.indirect.gather [hbm4b:s2+s12], $0x80, s12, s12, $0xb8;
	[tilespmem:$0x1A400] =	vst v63  }
0x17: {  	s24 =	simm.s32 $0x100;
	s31 =	simm.s32 $0x0  }
0x18: {  	[tilespmem:s16], [sflag:$0x3] =	stream.indirect.gather [hbm4b:s2+s12], $0x80, s24, s12, $0xb8;
	[tilespmem:$0x1A400] =	vst v63  }
.LBB2_2:
0x19: {  	s0 =	smul.u32 $0x5, s31;
	p0 =	seq.s32 s31, $0x0  }
0x1a: {  	s6 =	simm.s32 @!p0 $0x9  }
0x1b: {  	s1 =	sadd.s32 $0x3, s0;
	_ =	swait.ge @!p0 [sflag:s6], $0x4000  }
0x1c: {  	[sflag:s6] =	ssyncset.done @!p0 $0x0;
	s10 =	sshll.u32 s1, $0x7  }
0x1d: {  	[sflag:s6] =	ssyncadd.s32 @!p0 $0xFFFFC000;
	s24 =	sand.u32 $0x3FFFFF80, s10  }
0x1e: {  	[tilespmem:s17], [sflag:$0x4] =	stream.indirect.gather [hbm4b:s2+s12], $0x80, s24, s12, $0xb8;
	[tilespmem:$0x1A400] =	vst v63  }
0x1f: {  	_ =	swait.ge [sflag:s18], $0x4000  }
0x20: {  	[sflag:s18] =	ssyncset.done $0x0  }
0x21: {  	s6 =	simm.s32 $0x0;
	[sflag:s18] =	ssyncadd.s32 $0xFFFFC000  }
0x22: {  	v2 =	vld [tilespmem:s6+$0x6400]  }
0x23: {  	v5 =	vld [tilespmem:s6+$0x6410]  }
0x24: {  	v4 =	vld [tilespmem:s6+$0x6420]  }
0x25: {  	v3 =	vld [tilespmem:s6+$0x6430]  }
0x26: {  	v0 =	vld [tilespmem:s6+$0x6440]  }
0x27: {  	v1 =	vld [tilespmem:s6+$0x6450];
	v6 =	vmul.f32 $1.131370830e+01, v2  }
0x28: {  	s10 =	simm.s32 $0x200;
	v5 =	vmul.f32 $1.131370830e+01, v5;
	v2 =	vld [tilespmem:s6+$0x6460]  }
.LBB2_3:
0x29: {  	s11 =	sshra.s32 s10, $0x2;
	p1 =	sne.s32 s10, $0xFE00;
	[tilespmem:s6+$0x6400] =	vst v6;
	v4 =	vmul.f32 $1.131370830e+01, v4;
	v6 =	vld [tilespmem:s6+$0x6470]  }
0x2a: {  	v7 =	vld [tilespmem:s11+$0x6400];
	[tilespmem:s6+$0x6410] =	vst v5;
	v3 =	vmul.f32 $1.131370830e+01, v3  }
0x2b: {  	v5 =	vld [tilespmem:s11+$0x6410];
	[tilespmem:s6+$0x6420] =	vst v4;
	v0 =	vmul.f32 $1.131370830e+01, v0  }
.Ltmp0:
0x2c: {  	v4 =	vld [tilespmem:s11+$0x6420];
	[tilespmem:s6+$0x6430] =	vst v3;
	v1 =	vmul.f32 $1.131370830e+01, v1;
	(pc) =	sbr.rel @p1 .LBB2_3-.Ltmp0, $4  }
0x2d: {  	v3 =	vld [tilespmem:s11+$0x6430];
	[tilespmem:s6+$0x6440] =	vst v0;
	v2 =	vmul.f32 $1.131370830e+01, v2  }
0x2e: {  	v0 =	vld [tilespmem:s11+$0x6440];
	[tilespmem:s6+$0x6450] =	vst v1;
	v8 =	vmul.f32 $1.131370830e+01, v6  }
0x2f: {  	v6 =	vmul.f32 $1.131370830e+01, v7;
	v1 =	vld [tilespmem:s11+$0x6450];
	[tilespmem:s6+$0x6460] =	vst v2  }
0x30: {  	s10 =	sadd.s32 $0x200, s10;
	v5 =	vmul.f32 $1.131370830e+01, v5;
	v2 =	vld [tilespmem:s11+$0x6460];
	[tilespmem:s6+$0x6470] =	vst v8;
	s6 =	smov.u32 s11  }
0x31: {  	[tilespmem:s6+$0x6400] =	vst v6;
	v4 =	vmul.f32 $1.131370830e+01, v4;
	v6 =	vld [tilespmem:s6+$0x6470]  }
0x32: {  	[tilespmem:s6+$0x6410] =	vst v5;
	v3 =	vmul.f32 $1.131370830e+01, v3  }
0x33: {  	[tilespmem:s6+$0x6420] =	vst v4;
	v0 =	vmul.f32 $1.131370830e+01, v0  }
0x34: {  	s15 =	smul.u32 $0x280, s31;
	[tilespmem:s6+$0x6430] =	vst v3;
	v1 =	vmul.f32 $1.131370830e+01, v1  }
0x35: {  	[tilespmem:s6+$0x6440] =	vst v0;
	v0 =	vmul.f32 $1.131370830e+01, v2  }
0x36: {  	s10 =	sadd.s32 s4, s15;
	[tilespmem:s6+$0x6450] =	vst v1;
	v1 =	vmul.f32 $1.131370830e+01, v6  }
0x37: {  	s10 =	sshll.u32 s10, $0x4;
	[tilespmem:s6+$0x6460] =	vst v0  }
0x38: {  	s10 =	sadd.s32 s3, s10;
	[tilespmem:s6+$0x6470] =	vst v1;
	s6 =	simm.s32 @!p0 $0xA  }
0x39: {  	[hbm4b:s10+s5] =	stream.linear.scatter [tilespmem:s13], [sflag:$0x6], $0x4000, $0x38;
	[tilespmem:$0x1A400] =	vst v63  }
0x3a: {  	s0 =	sadd.s32 $0x4, s0;
	_ =	swait.ge @!p0 [sflag:s6], $0x4000  }
0x3b: {  	s11 =	sshll.u32 s0, $0x7;
	[sflag:s6] =	ssyncset.done @!p0 $0x0  }
0x3c: {  	s24 =	sand.u32 $0x3FFFFF80, s11;
	[sflag:s6] =	ssyncadd.s32 @!p0 $0xFFFFC000  }
0x3d: {  	[tilespmem:s19], [sflag:$0x5] =	stream.indirect.gather [hbm4b:s2+s12], $0x80, s24, s12, $0xb8;
	[tilespmem:$0x1A400] =	vst v63  }
0x3e: {  	_ =	swait.ge [sflag:s20], $0x4000  }
0x3f: {  	[sflag:s20] =	ssyncset.done $0x0  }
0x40: {  	s6 =	simm.s32 $0x0;
	[sflag:s20] =	ssyncadd.s32 $0xFFFFC000  }
0x41: {  	v3 =	vld [tilespmem:s6+$0xA400]  }
0x42: {  	v5 =	vld [tilespmem:s6+$0xA410]  }
0x43: {  	v4 =	vld [tilespmem:s6+$0xA420]  }
0x44: {  	v2 =	vld [tilespmem:s6+$0xA430]  }
0x45: {  	v0 =	vld [tilespmem:s6+$0xA440]  }
0x46: {  	v1 =	vld [tilespmem:s6+$0xA450];
	v6 =	vmul.f32 $1.131370830e+01, v3  }
0x47: {  	s10 =	simm.s32 $0x200;
	v5 =	vmul.f32 $1.131370830e+01, v5;
	v3 =	vld [tilespmem:s6+$0xA460]  }
.LBB2_5:
0x48: {  	s11 =	sshra.s32 s10, $0x2;
	p0 =	sne.s32 s10, $0xFE00;
	[tilespmem:s6+$0xA400] =	vst v6;
	v4 =	vmul.f32 $1.131370830e+01, v4;
	v6 =	vld [tilespmem:s6+$0xA470]  }
0x49: {  	v7 =	vld [tilespmem:s11+$0xA400];
	[tilespmem:s6+$0xA410] =	vst v5;
	v2 =	vmul.f32 $1.131370830e+01, v2  }
0x4a: {  	v5 =	vld [tilespmem:s11+$0xA410];
	[tilespmem:s6+$0xA420] =	vst v4;
	v0 =	vmul.f32 $1.131370830e+01, v0  }
.Ltmp1:
0x4b: {  	v4 =	vld [tilespmem:s11+$0xA420];
	[tilespmem:s6+$0xA430] =	vst v2;
	v1 =	vmul.f32 $1.131370830e+01, v1;
	(pc) =	sbr.rel @p0 .LBB2_5-.Ltmp1, $4  }
0x4c: {  	v2 =	vld [tilespmem:s11+$0xA430];
	[tilespmem:s6+$0xA440] =	vst v0;
	v3 =	vmul.f32 $1.131370830e+01, v3  }
0x4d: {  	v0 =	vld [tilespmem:s11+$0xA440];
	[tilespmem:s6+$0xA450] =	vst v1;
	v8 =	vmul.f32 $1.131370830e+01, v6  }
0x4e: {  	v6 =	vmul.f32 $1.131370830e+01, v7;
	v1 =	vld [tilespmem:s11+$0xA450];
	[tilespmem:s6+$0xA460] =	vst v3  }
0x4f: {  	s10 =	sadd.s32 $0x200, s10;
	v5 =	vmul.f32 $1.131370830e+01, v5;
	v3 =	vld [tilespmem:s11+$0xA460];
	[tilespmem:s6+$0xA470] =	vst v8;
	s6 =	smov.u32 s11  }
0x50: {  	[tilespmem:s6+$0xA400] =	vst v6;
	v4 =	vmul.f32 $1.131370830e+01, v4;
	v6 =	vld [tilespmem:s6+$0xA470]  }
0x51: {  	[tilespmem:s6+$0xA410] =	vst v5;
	v2 =	vmul.f32 $1.131370830e+01, v2  }
0x52: {  	[tilespmem:s6+$0xA420] =	vst v4;
	v0 =	vmul.f32 $1.131370830e+01, v0  }
0x53: {  	[tilespmem:s6+$0xA430] =	vst v2;
	v1 =	vmul.f32 $1.131370830e+01, v1  }
0x54: {  	[tilespmem:s6+$0xA440] =	vst v0;
	v0 =	vmul.f32 $1.131370830e+01, v3  }
0x55: {  	s10 =	sadd.s32 s15, s7;
	[tilespmem:s6+$0xA450] =	vst v1;
	v1 =	vmul.f32 $1.131370830e+01, v6  }
0x56: {  	p0 =	seq.s32 s31, $0x27;
	s10 =	sshll.u32 s10, $0x4;
	[tilespmem:s6+$0xA460] =	vst v0  }
0x57: {  	s24 =	sadd.s32 s3, s10;
	[tilespmem:s6+$0xA470] =	vst v1;
	s6 =	simm.s32 @!p0 $0x6  }
0x58: {  	[hbm4b:s24+s5] =	stream.linear.scatter [tilespmem:s14], [sflag:$0x7], $0x4000, $0x38;
	[tilespmem:$0x1A400] =	vst v63  }
0x59: {  	s10 =	smul.u32 @!p0 $0xA00, s31;
	_ =	swait.ge @!p0 [sflag:s6], $0x4000  }
0x5a: {  	[sflag:s6] =	ssyncset.done @!p0 $0x0  }
0x5b: {  	[sflag:s6] =	ssyncadd.s32 @!p0 $0xFFFFC000;
	s6 =	sshra.s32 @!p0 s10, $0x2  }
0x5c: {  	s11 =	simm.s32 @!p0 $0x80;
	s24 =	simm.s32 @!p0 $0x6400;
	s10 =	sadd.s32 @!p0 $0x280, s6  }
0x5d: {  	[tilespmem:s24], [sflag:$0x1] =	stream.indirect.gather @!p0 [hbm4b:s2+s11], $0x80, s10, s11, $0xb8;
	[tilespmem:$0x1A400] =	vst v63  }
0x5e: {  	_ =	swait.ge [sflag:s21], $0x4000  }
0x5f: {  	[sflag:s21] =	ssyncset.done $0x0  }
0x60: {  	s10 =	simm.s32 $0x0;
	[sflag:s21] =	ssyncadd.s32 $0xFFFFC000  }
0x61: {  	v3 =	vld [tilespmem:s10+$0xE400]  }
0x62: {  	v5 =	vld [tilespmem:s10+$0xE410]  }
0x63: {  	v4 =	vld [tilespmem:s10+$0xE420]  }
0x64: {  	v2 =	vld [tilespmem:s10+$0xE430]  }
0x65: {  	v0 =	vld [tilespmem:s10+$0xE440]  }
0x66: {  	v1 =	vld [tilespmem:s10+$0xE450];
	v6 =	vmul.f32 $1.131370830e+01, v3  }
0x67: {  	s11 =	simm.s32 $0x200;
	v5 =	vmul.f32 $1.131370830e+01, v5;
	v3 =	vld [tilespmem:s10+$0xE460]  }
.LBB2_7:
0x68: {  	s24 =	sshra.s32 s11, $0x2;
	p1 =	sne.s32 s11, $0xFE00;
	[tilespmem:s10+$0xE400] =	vst v6;
	v4 =	vmul.f32 $1.131370830e+01, v4;
	v6 =	vld [tilespmem:s10+$0xE470]  }
0x69: {  	v7 =	vld [tilespmem:s24+$0xE400];
	[tilespmem:s10+$0xE410] =	vst v5;
	v2 =	vmul.f32 $1.131370830e+01, v2  }
0x6a: {  	v5 =	vld [tilespmem:s24+$0xE410];
	[tilespmem:s10+$0xE420] =	vst v4;
	v0 =	vmul.f32 $1.131370830e+01, v0  }
.Ltmp2:
0x6b: {  	v4 =	vld [tilespmem:s24+$0xE420];
	[tilespmem:s10+$0xE430] =	vst v2;
	v1 =	vmul.f32 $1.131370830e+01, v1;
	(pc) =	sbr.rel @p1 .LBB2_7-.Ltmp2, $4  }
0x6c: {  	v2 =	vld [tilespmem:s24+$0xE430];
	[tilespmem:s10+$0xE440] =	vst v0;
	v3 =	vmul.f32 $1.131370830e+01, v3  }
0x6d: {  	v0 =	vld [tilespmem:s24+$0xE440];
	[tilespmem:s10+$0xE450] =	vst v1;
	v8 =	vmul.f32 $1.131370830e+01, v6  }
0x6e: {  	v6 =	vmul.f32 $1.131370830e+01, v7;
	v1 =	vld [tilespmem:s24+$0xE450];
	[tilespmem:s10+$0xE460] =	vst v3  }
0x6f: {  	s11 =	sadd.s32 $0x200, s11;
	v5 =	vmul.f32 $1.131370830e+01, v5;
	v3 =	vld [tilespmem:s24+$0xE460];
	[tilespmem:s10+$0xE470] =	vst v8;
	s10 =	smov.u32 s24  }
0x70: {  	[tilespmem:s10+$0xE400] =	vst v6;
	v4 =	vmul.f32 $1.131370830e+01, v4;
	v6 =	vld [tilespmem:s10+$0xE470]  }
0x71: {  	[tilespmem:s10+$0xE410] =	vst v5;
	v2 =	vmul.f32 $1.131370830e+01, v2  }
0x72: {  	[tilespmem:s10+$0xE420] =	vst v4;
	v0 =	vmul.f32 $1.131370830e+01, v0  }
0x73: {  	[tilespmem:s10+$0xE430] =	vst v2;
	v1 =	vmul.f32 $1.131370830e+01, v1  }
0x74: {  	[tilespmem:s10+$0xE440] =	vst v0;
	v0 =	vmul.f32 $1.131370830e+01, v3  }
0x75: {  	s11 =	sadd.s32 s15, s8;
	[tilespmem:s10+$0xE450] =	vst v1;
	v1 =	vmul.f32 $1.131370830e+01, v6  }
0x76: {  	s11 =	sshll.u32 s11, $0x4;
	[tilespmem:s10+$0xE460] =	vst v0  }
0x77: {  	s24 =	sadd.s32 s3, s11;
	[tilespmem:s10+$0xE470] =	vst v1;
	s10 =	simm.s32 @!p0 $0x7  }
0x78: {  	[hbm4b:s24+s5] =	stream.linear.scatter [tilespmem:s16], [sflag:$0x8], $0x4000, $0x38;
	[tilespmem:$0x1A400] =	vst v63  }
0x79: {  	_ =	swait.ge @!p0 [sflag:s10], $0x4000  }
0x7a: {  	s15 =	simm.s32 @!p0 $0xA400;
	[sflag:s10] =	ssyncset.done @!p0 $0x0  }
0x7b: {  	s11 =	simm.s32 @!p0 $0x80;
	[sflag:s10] =	ssyncadd.s32 @!p0 $0xFFFFC000;
	s10 =	sadd.s32 @!p0 $0x300, s6  }
0x7c: {  	[tilespmem:s15], [sflag:$0x2] =	stream.indirect.gather @!p0 [hbm4b:s2+s11], $0x80, s10, s11, $0xb8;
	[tilespmem:$0x1A400] =	vst v63  }
0x7d: {  	_ =	swait.ge [sflag:s22], $0x4000  }
0x7e: {  	[sflag:s22] =	ssyncset.done $0x0  }
0x7f: {  	s15 =	simm.s32 $0x0;
	[sflag:s22] =	ssyncadd.s32 $0xFFFFC000  }
0x80: {  	v3 =	vld [tilespmem:s15+$0x12400]  }
0x81: {  	v5 =	vld [tilespmem:s15+$0x12410]  }
0x82: {  	v4 =	vld [tilespmem:s15+$0x12420]  }
0x83: {  	v2 =	vld [tilespmem:s15+$0x12430]  }
0x84: {  	v0 =	vld [tilespmem:s15+$0x12440]  }
0x85: {  	v1 =	vld [tilespmem:s15+$0x12450];
	v6 =	vmul.f32 $1.131370830e+01, v3  }
0x86: {  	s10 =	simm.s32 $0x200;
	v5 =	vmul.f32 $1.131370830e+01, v5;
	v3 =	vld [tilespmem:s15+$0x12460]  }
.LBB2_9:
0x87: {  	s11 =	sshra.s32 s10, $0x2;
	p1 =	sne.s32 s10, $0xFE00;
	[tilespmem:s15+$0x12400] =	vst v6;
	v4 =	vmul.f32 $1.131370830e+01, v4;
	v6 =	vld [tilespmem:s15+$0x12470]  }
0x88: {  	v7 =	vld [tilespmem:s11+$0x12400];
	[tilespmem:s15+$0x12410] =	vst v5;
	v2 =	vmul.f32 $1.131370830e+01, v2  }
0x89: {  	v5 =	vld [tilespmem:s11+$0x12410];
	[tilespmem:s15+$0x12420] =	vst v4;
	v0 =	vmul.f32 $1.131370830e+01, v0  }
.Ltmp3:
0x8a: {  	v4 =	vld [tilespmem:s11+$0x12420];
	[tilespmem:s15+$0x12430] =	vst v2;
	v1 =	vmul.f32 $1.131370830e+01, v1;
	(pc) =	sbr.rel @p1 .LBB2_9-.Ltmp3, $4  }
0x8b: {  	v2 =	vld [tilespmem:s11+$0x12430];
	[tilespmem:s15+$0x12440] =	vst v0;
	v3 =	vmul.f32 $1.131370830e+01, v3  }
0x8c: {  	v0 =	vld [tilespmem:s11+$0x12440];
	[tilespmem:s15+$0x12450] =	vst v1;
	v8 =	vmul.f32 $1.131370830e+01, v6  }
0x8d: {  	v6 =	vmul.f32 $1.131370830e+01, v7;
	v1 =	vld [tilespmem:s11+$0x12450];
	[tilespmem:s15+$0x12460] =	vst v3  }
0x8e: {  	s10 =	sadd.s32 $0x200, s10;
	v5 =	vmul.f32 $1.131370830e+01, v5;
	v3 =	vld [tilespmem:s11+$0x12460];
	[tilespmem:s15+$0x12470] =	vst v8;
	s15 =	smov.u32 s11  }
0x8f: {  	[tilespmem:s15+$0x12400] =	vst v6;
	v4 =	vmul.f32 $1.131370830e+01, v4;
	v6 =	vld [tilespmem:s15+$0x12470]  }
0x90: {  	[tilespmem:s15+$0x12410] =	vst v5;
	v2 =	vmul.f32 $1.131370830e+01, v2  }
0x91: {  	[tilespmem:s15+$0x12420] =	vst v4;
	v0 =	vmul.f32 $1.131370830e+01, v0  }
0x92: {  	[tilespmem:s15+$0x12430] =	vst v2;
	v1 =	vmul.f32 $1.131370830e+01, v1  }
0x93: {  	s1 =	sshll.u32 s1, $0xE;
	[tilespmem:s15+$0x12440] =	vst v0;
	v0 =	vmul.f32 $1.131370830e+01, v3  }
0x94: {  	s1 =	sadd.s32 s9, s1;
	[tilespmem:s15+$0x12450] =	vst v1;
	v1 =	vmul.f32 $1.131370830e+01, v6  }
0x95: {  	s1 =	sshrl.u32 s1, $0x3;
	[tilespmem:s15+$0x12460] =	vst v0  }
0x96: {  	s1 =	sadd.s32 s3, s1;
	[tilespmem:s15+$0x12470] =	vst v1  }
0x97: {  	[hbm4b:s1+s5] =	stream.linear.scatter [tilespmem:s17], [sflag:$0x9], $0x4000, $0x38;
	[tilespmem:$0x1A400] =	vst v63  }
0x98: {  	s1 =	simm.s32 @!p0 $0x8  }
0x99: {  	_ =	swait.ge @!p0 [sflag:s1], $0x4000  }
0x9a: {  	s10 =	simm.s32 @!p0 $0xE400;
	[sflag:s1] =	ssyncset.done @!p0 $0x0  }
0x9b: {  	[sflag:s1] =	ssyncadd.s32 @!p0 $0xFFFFC000;
	s1 =	sadd.s32 @!p0 $0x380, s6;
	s6 =	simm.s32 @!p0 $0x80  }
0x9c: {  	[tilespmem:s10], [sflag:$0x3] =	stream.indirect.gather @!p0 [hbm4b:s2+s6], $0x80, s1, s6, $0xb8;
	[tilespmem:$0x1A400] =	vst v63  }
0x9d: {  	_ =	swait.ge [sflag:s23], $0x4000  }
0x9e: {  	[sflag:s23] =	ssyncset.done $0x0  }
0x9f: {  	s1 =	simm.s32 $0x0;
	[sflag:s23] =	ssyncadd.s32 $0xFFFFC000  }
0xa0: {  	v3 =	vld [tilespmem:s1+$0x16400]  }
0xa1: {  	v5 =	vld [tilespmem:s1+$0x16410]  }
0xa2: {  	v4 =	vld [tilespmem:s1+$0x16420]  }
0xa3: {  	v2 =	vld [tilespmem:s1+$0x16430]  }
0xa4: {  	v0 =	vld [tilespmem:s1+$0x16440]  }
0xa5: {  	v1 =	vld [tilespmem:s1+$0x16450];
	v6 =	vmul.f32 $1.131370830e+01, v3  }
0xa6: {  	s6 =	simm.s32 $0x200;
	v5 =	vmul.f32 $1.131370830e+01, v5;
	v3 =	vld [tilespmem:s1+$0x16460]  }
.LBB2_11:
0xa7: {  	s10 =	sshra.s32 s6, $0x2;
	p0 =	sne.s32 s6, $0xFE00;
	[tilespmem:s1+$0x16400] =	vst v6;
	v4 =	vmul.f32 $1.131370830e+01, v4;
	v6 =	vld [tilespmem:s1+$0x16470]  }
0xa8: {  	v7 =	vld [tilespmem:s10+$0x16400];
	[tilespmem:s1+$0x16410] =	vst v5;
	v2 =	vmul.f32 $1.131370830e+01, v2  }
0xa9: {  	v5 =	vld [tilespmem:s10+$0x16410];
	[tilespmem:s1+$0x16420] =	vst v4;
	v0 =	vmul.f32 $1.131370830e+01, v0  }
.Ltmp4:
0xaa: {  	v4 =	vld [tilespmem:s10+$0x16420];
	[tilespmem:s1+$0x16430] =	vst v2;
	v1 =	vmul.f32 $1.131370830e+01, v1;
	(pc) =	sbr.rel @p0 .LBB2_11-.Ltmp4, $4  }
0xab: {  	v2 =	vld [tilespmem:s10+$0x16430];
	[tilespmem:s1+$0x16440] =	vst v0;
	v3 =	vmul.f32 $1.131370830e+01, v3  }
0xac: {  	v0 =	vld [tilespmem:s10+$0x16440];
	[tilespmem:s1+$0x16450] =	vst v1;
	v8 =	vmul.f32 $1.131370830e+01, v6  }
0xad: {  	v6 =	vmul.f32 $1.131370830e+01, v7;
	v1 =	vld [tilespmem:s10+$0x16450];
	[tilespmem:s1+$0x16460] =	vst v3  }
0xae: {  	s6 =	sadd.s32 $0x200, s6;
	v5 =	vmul.f32 $1.131370830e+01, v5;
	v3 =	vld [tilespmem:s10+$0x16460];
	[tilespmem:s1+$0x16470] =	vst v8;
	s1 =	smov.u32 s10  }
0xaf: {  	[tilespmem:s1+$0x16400] =	vst v6;
	v4 =	vmul.f32 $1.131370830e+01, v4;
	v61 =	vld [tilespmem:s1+$0x16470]  }
0xb0: {  	[tilespmem:s1+$0x16410] =	vst v5;
	v2 =	vmul.f32 $1.131370830e+01, v2  }
0xb1: {  	s31 =	sadd.s32 $0x1, s31;
	[tilespmem:s1+$0x16420] =	vst v4;
	v0 =	vmul.f32 $1.131370830e+01, v0  }
0xb2: {  	p0 =	sne.s32 s31, $0x28;
	[tilespmem:s1+$0x16430] =	vst v2;
	v1 =	vmul.f32 $1.131370830e+01, v1  }
.Ltmp5:
0xb3: {  	s0 =	sshll.u32 s0, $0xE;
	[tilespmem:s1+$0x16440] =	vst v0;
	v62 =	vmul.f32 $1.131370830e+01, v3;
	(pc) =	sbr.rel @p0 .LBB2_2-.Ltmp5, $4  }
0xb4: {  	s0 =	sadd.s32 s9, s0;
	[tilespmem:s1+$0x16450] =	vst v1;
	v63 =	vmul.f32 $1.131370830e+01, v61  }
0xb5: {  	s0 =	sshrl.u32 s0, $0x3;
	[tilespmem:s1+$0x16460] =	vst v62  }
0xb6: {  	s0 =	sadd.s32 s3, s0;
	[tilespmem:s1+$0x16470] =	vst v63  }
0xb7: {  	[hbm4b:s0+s5] =	stream.linear.scatter [tilespmem:s19], [sflag:$0xA], $0x4000, $0x38;
	[tilespmem:$0x1A400] =	vst v63  }
0xb8: {  	s0 =	simm.s32 $0x6  }
0xb9: {  	_ =	swait.ge [sflag:s0], $0x4000  }
0xba: {  	[sflag:s0] =	ssyncset.done $0x0  }
0xbb: {  	[sflag:s0] =	ssyncadd.s32 $0xFFFFC000  }
0xbc: {  	_ =	swait.ge [sflag:s25], $0x4000  }
0xbd: {  	[sflag:s25] =	ssyncset.done $0x0  }
0xbe: {  	[sflag:s25] =	ssyncadd.s32 $0xFFFFC000  }
0xbf: {  	_ =	swait.ge [sflag:s26], $0x4000  }
0xc0: {  	[sflag:s26] =	ssyncset.done $0x0  }
0xc1: {  	[sflag:s26] =	ssyncadd.s32 $0xFFFFC000  }
0xc2: {  	_ =	swait.ge [sflag:s28], $0x4000  }
0xc3: {  	[sflag:s28] =	ssyncset.done $0x0  }
0xc4: {  	[sflag:s28] =	ssyncadd.s32 $0xFFFFC000  }
0xc5: {  	_ =	swait.ge [sflag:s29], $0x4000  }
0xc6: {  	s30 =	sadd.s32 $0x1, s30;
	s31 =	rddreg [dreg:$0x5]  }
0xc7: {  	p0 =	sne.s32 s30, s31  }
.Ltmp6:
0xc8: {  	_ = 	snop;
	(pc) =	sbr.rel @p0 .LBB2_1-.Ltmp6, $3  }
0xc9: {  	_ =	sdelay $0x1  }
0xca: {  	[sflag:s29] =	ssyncset.done $0x0  }
0xcb: {  	[sflag:s29] =	ssyncadd.s32 $0xFFFFC000  }
0xcc: {  	_ =	sfence.sel $0x180000  }
0xcd: {  	[bflag:$0x0] =	sbarrier.arrive $0xFFFF  }
0xce: {  	_ =	strace $0x90000047  }
0xcf: {  	s0 =	stileid.u32;
	[bflag:$0x2] =	sbarrier.arrive $0xFFFF  }
0xd0: {  	p0 =	sne.s32 s0, $0x0;
	s0 =	rddreg [dreg:$0x3]  }
0xd1: {  	s0 =	sadd.s32 @!p0 $0x100000, s0  }
0xd2: {  	[sflag:s0] =	ssyncadd.tile.s32 @!p0 $0x1;
	_ =	shalt  }
.Lfunc_end2:
_tile_overlayer_lowered:
.L_overlay_start_2:
0xd3: {  	(tag) =	ssettag $0x2  }
0xd4: {  	s0 =	rddreg [dreg:$0x0];
	s2 =	stileid.u32  }
0xd5: {  	s1 =	rddreg [dreg:$0x1];
	p0 =	sne.s32 s2, $0x0  }
0xd6: {  	s3 =	rddreg [dreg:$0x2];
	[bflag:$0x3] =	sbarrier.arrive $0xFFFF;
	s2 =	simm.s32 @!p0 $0x1C0B  }
0xd7: {  	[timem:s3], [sflag:s2] =	dma.local @!p0 [hbm:s0], s1  }
0xd8: {  	s0 =	simm.s32 @!p0 $0xB  }
0xd9: {  	_ =	swait.ge @!p0 [sflag:s0], s1  }
0xda: {  	s1 =	ssub.s32 @!p0 $0x0, s1;
	[sflag:s0] =	ssyncset.done @!p0 $0x0  }
0xdb: {  	[sflag:s0] =	ssyncadd.s32 @!p0 s1  }
0xdc: {  	[bflag:$0x3] =	sbarrier.arrive $0xFFFF  }
0xdd: {  	_ =	shalt  }

</sc_bundles>
